<compile_context>
chip_gen: v7x
topology: tpu7x:2x2x1
jax: 0.10.2.dev20260603
libtpu: 0.0.44.dev20260713+nightly
codegen_flags: <defaults>
</compile_context>

<pallas_src>
import functools

import jax
import jax.numpy as jnp
from jax import lax
from jax.experimental import pallas as pl
from jax.experimental.pallas import tpu as pltpu
from jax.experimental.pallas import tpu_sc as plsc

D = 32
S = 100
SH = 50
CB = 16
RPC = SH * CB


@functools.lru_cache(maxsize=None)
def _make_gather(BT, V):
    info = plsc.get_sparse_core_info()
    NC, NS, L = info.num_cores, info.num_subcores, info.num_lanes
    NW = NC * NS
    assert L == CB and S % SH == 0
    assert BT % (NW * CB) == 0
    b_per_w = BT // NW
    n_chunks = (b_per_w // CB) * (S // SH)
    s_blocks = S // SH
    mesh = plsc.VectorSubcoreMesh(core_axis_name="c", subcore_axis_name="s")

    @functools.partial(
        pl.kernel,
        mesh=mesh,
        compiler_params=pltpu.CompilerParams(
            use_tc_tiling_on_sc=False, needs_layout_passes=False),
        out_type=jax.ShapeDtypeStruct((S, D // 8, BT // 128, 8, 128),
                                      jnp.float32),
        scratch_types=[
            pltpu.VMEM((2, SH, CB), jnp.int32),
            pltpu.VMEM((2, RPC), jnp.int32),
            pltpu.VMEM((2, RPC, D), jnp.float32),
            pltpu.VMEM((2, SH, D // 8, 8, CB), jnp.float32),
            pltpu.SemaphoreType.DMA,
            pltpu.SemaphoreType.DMA,
            pltpu.SemaphoreType.DMA,
            pltpu.SemaphoreType.DMA,
        ],
    )
    def gather_kernel(idx_hbm, table_hbm, out_hbm, idxb, fidx, rows, outb,
                      sem_g0, sem_g1, sem_o0, sem_o1):
        wid = lax.axis_index("s") * NC + lax.axis_index("c")
        b_base = wid * b_per_w
        iota = lax.iota(jnp.int32, L)
        ti_lo = lax.div(iota, 8)
        ti_hi = ti_lo + 2
        rl = lax.rem(iota, 8)

        def chunk_coords(i):
            s0 = lax.rem(i, s_blocks) * SH
            b0 = b_base + lax.div(i, s_blocks) * CB
            return s0, b0

        def stage_and_fire(i, p):
            s0, b0 = chunk_coords(i)
            pltpu.sync_copy(
                idx_hbm.at[pl.ds(s0, SH), pl.ds(b0, CB)], idxb.at[p])

            def flat_body(s, carry):
                fidx[p, pl.ds(s * CB, CB)] = idxb[p, s, :]
                return carry

            lax.fori_loop(0, SH, flat_body, 0)
            pltpu.async_copy(table_hbm.at[fidx.at[p]],
                             rows.at[p], sem_g0 if p == 0 else sem_g1)

        def wait_gather(p):
            pltpu.make_async_copy(
                table_hbm.at[pl.ds(0, RPC)], rows.at[p],
                sem_g0 if p == 0 else sem_g1).wait()

        def out_slice(s0, tj, cl):
            return out_hbm.at[pl.ds(s0, SH), :, tj, :, pl.ds(cl, CB)]

        def wait_out(p):
            pltpu.make_async_copy(
                outb.at[p], out_slice(0, 0, b_base % 128),
                sem_o0 if p == 0 else sem_o1).wait()

        def transpose_and_fire(i, p):
            def s_body(s, carry):
                s_vec = jnp.full((L,), 0, jnp.int32) + s
                for b in range(0, CB, 2):
                    r0 = s * CB + b
                    v = [rows[p, r0, pl.ds(0, L)],
                         rows[p, r0, pl.ds(L, L)],
                         rows[p, r0 + 1, pl.ds(0, L)],
                         rows[p, r0 + 1, pl.ds(L, L)]]
                    b_vec = jnp.full((L,), b, jnp.int32)
                    b_vec1 = jnp.full((L,), b + 1, jnp.int32)
                    plsc.store_scatter(
                        outb.at[p], [s_vec, ti_lo, rl, b_vec], v[0])
                    plsc.store_scatter(
                        outb.at[p], [s_vec, ti_hi, rl, b_vec], v[1])
                    plsc.store_scatter(
                        outb.at[p], [s_vec, ti_lo, rl, b_vec1], v[2])
                    plsc.store_scatter(
                        outb.at[p], [s_vec, ti_hi, rl, b_vec1], v[3])
                return carry

            lax.fori_loop(0, SH, s_body, 0)
            s0, b0 = chunk_coords(i)
            pltpu.async_copy(
                outb.at[p],
                out_slice(s0, lax.div(b0, 128), lax.rem(b0, 128)),
                sem_o0 if p == 0 else sem_o1)

        stage_and_fire(0, 0)

        def body(i, carry):
            p = lax.rem(i, 2)

            @pl.when(i + 1 < n_chunks)
            def _():
                @pl.when(p == 0)
                def _():
                    stage_and_fire(i + 1, 1)

                @pl.when(p == 1)
                def _():
                    stage_and_fire(i + 1, 0)

            @pl.when(p == 0)
            def _():
                wait_gather(0)

                @pl.when(i >= 2)
                def _():
                    wait_out(0)

                transpose_and_fire(i, 0)

            @pl.when(p == 1)
            def _():
                wait_gather(1)

                @pl.when(i >= 2)
                def _():
                    wait_out(1)

                transpose_and_fire(i, 1)

            return carry

        lax.fori_loop(0, n_chunks, body, 0)
        wait_out(0)
        wait_out(1)

    return gather_kernel


def kernel(input, weight):
    idx_t = jnp.transpose(input).astype(jnp.int32)
    out5 = _make_gather(idx_t.shape[1], weight.shape[0])(idx_t, weight)
    BT = idx_t.shape[1]
    out = jnp.transpose(out5, (2, 4, 0, 1, 3))
    return jnp.reshape(out, (BT, S, D))

# --- scband reference (transcript-rebuilt; emitter-appended) ---
"""Pipeline reference for scband-embedding-72404558676793 (READ-ONLY COPY).

The authoritative reference and input builder live on the scoring server;
editing this copy changes nothing except your own understanding.
"""

import jax, jax.numpy as jnp
import numpy as np

NUM_EMBEDDINGS = 1000000
EMBEDDING_DIM = 32

def setup_inputs(seed: int = 0) -> dict:
    key = jax.random.key(seed)
    k_idx, k_w = jax.random.split(key)
    input = jax.random.randint(k_idx, (16384, 100), 0, NUM_EMBEDDINGS, dtype=jnp.int64 if jax.config.jax_enable_x64 else jnp.int32)
    # weight: trunc_normal_(mean=0, std=1, a=-3, b=3)
    weight = jax.random.truncated_normal(k_w, -3.0, 3.0, (NUM_EMBEDDINGS, EMBEDDING_DIM), dtype=jnp.float32)
    return {"input": input, "weight": weight}

def reference(input, weight):
    # Embedding lookup: weight[input]
    return jnp.take(weight, input, axis=0)

if __name__ == "__main__":
    import jax
    _d = setup_inputs()
    print(jax.jit(kernel)(*tuple(_d.values())))

</pallas_src>

<mosaic_0001>
#map = affine_map<(d0, d1) -> (0, 0)>
#map1 = affine_map<(d0, d1) -> (0, 0, 0, 0, 0)>
module attributes {stable_mosaic.version = 14 : i64} {
  func.func @gather_kernel(%arg0: i32, %arg1: i32, %arg2: memref<100x16384xi32, #tpu.memory_space<hbm>>, %arg3: memref<1000000x32xf32, #tpu.memory_space<hbm>>, %arg4: memref<100x4x128x8x128xf32, #tpu.memory_space<hbm>>, %arg5: memref<2x50x16xi32, #tpu.memory_space<vmem>>, %arg6: memref<2x800xi32, #tpu.memory_space<vmem>>, %arg7: memref<2x800x32xf32, #tpu.memory_space<vmem>>, %arg8: memref<2x50x4x8x16xf32, #tpu.memory_space<vmem>>, %arg9: memref<!tpu.dma_semaphore, #tpu.memory_space<semaphore_mem>>, %arg10: memref<!tpu.dma_semaphore, #tpu.memory_space<semaphore_mem>>, %arg11: memref<!tpu.dma_semaphore, #tpu.memory_space<semaphore_mem>>, %arg12: memref<!tpu.dma_semaphore, #tpu.memory_space<semaphore_mem>>) attributes {dimension_semantics = [#tpu.dimension_semantics<core_parallel>, #tpu.dimension_semantics<subcore_parallel>], iteration_bounds = array<i64: 2, 16>, scalar_prefetch = 0 : i64, scratch_operands = 8 : i64, tpu.core_type = #tpu.core_type<sc_vector_subcore>, window_params = [{transform_indices = #map}, {transform_indices = #map}, {transform_indices = #map1}]} {
    %mul3A = arith.constant 2 : i32
    %mul3A_0 = arith.muli %arg1, %mul3A : i32
    %add3A = arith.addi %mul3A_0, %arg0 : i32
    %mul3A_1 = arith.constant 512 : i32
    %mul3A_2 = arith.muli %add3A, %mul3A_1 : i32
    %iota3A = tpu.iota {dimensions = array<i32: 0>} : vector<16xi32>
    %div3A = arith.constant 8 : i32
    %div3A_3 = vector.broadcast %div3A : i32 to vector<16xi32>
    %div3A_4 = arith.divsi %iota3A, %div3A_3 : vector<16xi32>
    %add3A_5 = arith.constant 2 : i32
    %add3A_6 = vector.broadcast %add3A_5 : i32 to vector<16xi32>
    %add3A_7 = arith.addi %div3A_4, %add3A_6 : vector<16xi32>
    %rem3A = arith.constant 8 : i32
    %rem3A_8 = vector.broadcast %rem3A : i32 to vector<16xi32>
    %rem3A_9 = arith.remsi %iota3A, %rem3A_8 : vector<16xi32>
    %rem3A_10 = arith.constant 0 : i32
    %rem3A_11 = arith.constant 2 : i32
    %rem3A_12 = arith.remsi %rem3A_10, %rem3A_11 : i32
    %mul3A_13 = arith.constant 50 : i32
    %mul3A_14 = arith.muli %rem3A_12, %mul3A_13 : i32
    %div3A_15 = arith.constant 0 : i32
    %div3A_16 = arith.constant 2 : i32
    %div3A_17 = arith.divsi %div3A_15, %div3A_16 : i32
    %mul3A_18 = arith.constant 16 : i32
    %mul3A_19 = arith.muli %div3A_17, %mul3A_18 : i32
    %add3A_20 = arith.addi %mul3A_2, %mul3A_19 : i32
    %run_scoped3A = arith.constant 0 : i32
    "tpu.region"() ({
      %run_scoped3A_116 = tpu.sem_alloc : memref<!tpu.dma_semaphore, #tpu.memory_space<semaphore_mem>>
      %dma_start3A_117 = arith.constant 0 : i32
      %dma_start3A_118 = arith.constant 0 : i32
      %dma_start3A_119 = tpu.memref_slice %arg5[%run_scoped3A, %dma_start3A_117, %dma_start3A_118] : memref<2x50x16xi32, #tpu.memory_space<vmem>> -> memref<1x50x16xi32, #tpu.memory_space<vmem>>
      %dma_start3A_120 = tpu.memref_squeeze %dma_start3A_119 : memref<1x50x16xi32, #tpu.memory_space<vmem>> -> memref<50x16xi32, #tpu.memory_space<vmem>>
      %dma_start3A_121 = tpu.memref_slice %arg2[%mul3A_14, %add3A_20] : memref<100x16384xi32, #tpu.memory_space<hbm>> -> memref<50x16xi32, #tpu.memory_space<hbm>>
      %dma_start3A_122 = arith.constant 0 : i32
      %dma_start3A_123 = arith.constant 0 : i32
      %dma_start3A_124 = tpu.memref_slice %arg5[%run_scoped3A, %dma_start3A_122, %dma_start3A_123] : memref<2x50x16xi32, #tpu.memory_space<vmem>> -> memref<1x50x16xi32, #tpu.memory_space<vmem>>
      %dma_start3A_125 = tpu.memref_squeeze %dma_start3A_124 : memref<1x50x16xi32, #tpu.memory_space<vmem>> -> memref<50x16xi32, #tpu.memory_space<vmem>>
      %dma_start3A_126 = tpu.memref_slice %arg2[%mul3A_14, %add3A_20] : memref<100x16384xi32, #tpu.memory_space<hbm>> -> memref<50x16xi32, #tpu.memory_space<hbm>>
      tpu.enqueue_dma source(%dma_start3A_126 : memref<50x16xi32, #tpu.memory_space<hbm>>) target(%dma_start3A_125 : memref<50x16xi32, #tpu.memory_space<vmem>>) target_semaphore(%run_scoped3A_116 : memref<!tpu.dma_semaphore, #tpu.memory_space<semaphore_mem>>)
      %dma_wait3A_127 = arith.constant 0 : i32
      %dma_wait3A_128 = arith.constant 0 : i32
      %dma_wait3A_129 = tpu.memref_slice %arg5[%run_scoped3A, %dma_wait3A_127, %dma_wait3A_128] : memref<2x50x16xi32, #tpu.memory_space<vmem>> -> memref<1x50x16xi32, #tpu.memory_space<vmem>>
      %dma_wait3A_130 = tpu.memref_squeeze %dma_wait3A_129 : memref<1x50x16xi32, #tpu.memory_space<vmem>> -> memref<50x16xi32, #tpu.memory_space<vmem>>
      %dma_wait3A_131 = tpu.memref_slice %arg2[%mul3A_14, %add3A_20] : memref<100x16384xi32, #tpu.memory_space<hbm>> -> memref<50x16xi32, #tpu.memory_space<hbm>>
      %dma_wait3A_132 = arith.constant 0 : i32
      %dma_wait3A_133 = arith.constant 0 : i32
      %dma_wait3A_134 = tpu.memref_slice %arg5[%run_scoped3A, %dma_wait3A_132, %dma_wait3A_133] : memref<2x50x16xi32, #tpu.memory_space<vmem>> -> memref<1x50x16xi32, #tpu.memory_space<vmem>>
      %dma_wait3A_135 = tpu.memref_squeeze %dma_wait3A_134 : memref<1x50x16xi32, #tpu.memory_space<vmem>> -> memref<50x16xi32, #tpu.memory_space<vmem>>
      %dma_wait3A_136 = tpu.memref_slice %arg2[%mul3A_14, %add3A_20] : memref<100x16384xi32, #tpu.memory_space<hbm>> -> memref<50x16xi32, #tpu.memory_space<hbm>>
      tpu.wait_dma2 semaphore(%run_scoped3A_116 : memref<!tpu.dma_semaphore, #tpu.memory_space<semaphore_mem>>) src(%dma_wait3A_136 : memref<50x16xi32, #tpu.memory_space<hbm>>) dst(%dma_wait3A_135 : memref<50x16xi32, #tpu.memory_space<vmem>>)
      tpu.yield
    }) : () -> ()
    %scan3A = arith.constant 0 : i32
    %scan3A_21 = arith.constant 0 : i32
    %scan3A_22 = arith.constant 50 : i32
    %scan3A_23 = arith.addi %scan3A_21, %scan3A_22 : i32
    %scan3A_24 = arith.constant 1 : i32
    scf.for %scan3A_116 = %scan3A_21 to %scan3A_23 step %scan3A_24  : i32 {
      %get3A = arith.constant 0 : i32
      %get3A_117 = arith.index_cast %get3A : i32 to index
      %get3A_118 = arith.index_cast %scan3A_116 : i32 to index
      %get3A_119 = arith.constant 0 : index
      %get3A_120 = tpu.vector_load %arg5[%get3A_117, %get3A_118, %get3A_119] {strides = array<i32>} : memref<2x50x16xi32, #tpu.memory_space<vmem>>, vector<16xi32>,
      %mul3A_121 = arith.constant 16 : i32
      %mul3A_122 = arith.muli %scan3A_116, %mul3A_121 : i32
      %swap3A = arith.constant 0 : i32
      %swap3A_123 = arith.index_cast %swap3A : i32 to index
      %swap3A_124 = arith.index_cast %mul3A_122 : i32 to index
      %swap3A_125 = tpu.vector_load %arg6[%swap3A_123, %swap3A_124] {strides = array<i32>} : memref<2x800xi32, #tpu.memory_space<vmem>>, vector<16xi32>,
      tpu.vector_store %arg6[%swap3A_123, %swap3A_124], %get3A_120 {strides = array<i32>} : memref<2x800xi32, #tpu.memory_space<vmem>>, vector<16xi32>,
    }
    %scan3A_25 = arith.constant 50 : i32
    %dma_start3A = arith.constant 0 : i32
    %dma_start3A_26 = arith.constant 0 : i32
    %dma_start3A_27 = arith.constant 0 : i32
    %dma_start3A_28 = arith.constant 0 : i32
    %dma_start3A_29 = tpu.memref_slice %arg7[%dma_start3A_26, %dma_start3A_27, %dma_start3A_28] : memref<2x800x32xf32, #tpu.memory_space<vmem>> -> memref<1x800x32xf32, #tpu.memory_space<vmem>>
    %dma_start3A_30 = tpu.memref_squeeze %dma_start3A_29 : memref<1x800x32xf32, #tpu.memory_space<vmem>> -> memref<800x32xf32, #tpu.memory_space<vmem>>
    %dma_start3A_31 = arith.constant 0 : i32
    %dma_start3A_32 = tpu.memref_slice %arg6[%dma_start3A, %dma_start3A_31] : memref<2x800xi32, #tpu.memory_space<vmem>> -> memref<1x800xi32, #tpu.memory_space<vmem>>
    %dma_start3A_33 = tpu.memref_squeeze %dma_start3A_32 : memref<1x800xi32, #tpu.memory_space<vmem>> -> memref<800xi32, #tpu.memory_space<vmem>>
    %dma_start3A_34 = arith.constant 0 : i32
    %dma_start3A_35 = arith.constant 0 : i32
    %dma_start3A_36 = tpu.memref_slice %arg3[%dma_start3A_34, %dma_start3A_35] : memref<1000000x32xf32, #tpu.memory_space<hbm>> -> memref<1000000x32xf32, #tpu.memory_space<hbm>>
    tpu.enqueue_indirect_dma source(%dma_start3A_36 : memref<1000000x32xf32, #tpu.memory_space<hbm>>) target(%dma_start3A_30 : memref<800x32xf32, #tpu.memory_space<vmem>>) offsets(%dma_start3A_33 : memref<800xi32, #tpu.memory_space<vmem>>) semaphore(%arg9 : memref<!tpu.dma_semaphore, #tpu.memory_space<semaphore_mem>>)
    %scan3A_37 = arith.constant 0 : i32
    %scan3A_38 = arith.constant 0 : i32
    %scan3A_39 = arith.constant 64 : i32
    %scan3A_40 = arith.addi %scan3A_38, %scan3A_39 : i32
    %scan3A_41 = arith.constant 1 : i32
    scf.for %scan3A_116 = %scan3A_38 to %scan3A_40 step %scan3A_41  : i32 {
      %rem3A_117 = arith.constant 2 : i32
      %rem3A_118 = arith.remsi %scan3A_116, %rem3A_117 : i32
      %add3A_119 = arith.constant 1 : i32
      %add3A_120 = arith.addi %scan3A_116, %add3A_119 : i32
      %lt3A_121 = arith.constant 64 : i32
      %lt3A_122 = arith.cmpi slt, %add3A_120, %lt3A_121 : i32
      %convert_element_type3A = arith.extui %lt3A_122 : i1 to i32
      %cond3A = arith.constant 0 : i32
      %cond3A_123 = arith.cmpi ne, %convert_element_type3A, %cond3A : i32
      scf.if %cond3A_123 {
        %eq3A_134 = arith.constant 0 : i32
        %eq3A_135 = arith.cmpi eq, %rem3A_118, %eq3A_134 : i32
        %convert_element_type3A_136 = arith.extui %eq3A_135 : i1 to i32
        %cond3A_137 = arith.constant 0 : i32
        %cond3A_138 = arith.cmpi ne, %convert_element_type3A_136, %cond3A_137 : i32
        scf.if %cond3A_138 {
          %add3A_144 = arith.constant 1 : i32
          %add3A_145 = arith.addi %scan3A_116, %add3A_144 : i32
          %rem3A_146 = arith.constant 2 : i32
          %rem3A_147 = arith.remsi %add3A_145, %rem3A_146 : i32
          %mul3A_148 = arith.constant 50 : i32
          %mul3A_149 = arith.muli %rem3A_147, %mul3A_148 : i32
          %div3A_150 = arith.constant 2 : i32
          %div3A_151 = arith.divsi %add3A_145, %div3A_150 : i32
          %mul3A_152 = arith.constant 16 : i32
          %mul3A_153 = arith.muli %div3A_151, %mul3A_152 : i32
          %add3A_154 = arith.addi %mul3A_2, %mul3A_153 : i32
          %run_scoped3A_155 = arith.constant 1 : i32
          "tpu.region"() ({
            %run_scoped3A_174 = tpu.sem_alloc : memref<!tpu.dma_semaphore, #tpu.memory_space<semaphore_mem>>
            %dma_start3A_175 = arith.constant 0 : i32
            %dma_start3A_176 = arith.constant 0 : i32
            %dma_start3A_177 = tpu.memref_slice %arg5[%run_scoped3A_155, %dma_start3A_175, %dma_start3A_176] : memref<2x50x16xi32, #tpu.memory_space<vmem>> -> memref<1x50x16xi32, #tpu.memory_space<vmem>>
            %dma_start3A_178 = tpu.memref_squeeze %dma_start3A_177 : memref<1x50x16xi32, #tpu.memory_space<vmem>> -> memref<50x16xi32, #tpu.memory_space<vmem>>
            %dma_start3A_179 = tpu.memref_slice %arg2[%mul3A_149, %add3A_154] : memref<100x16384xi32, #tpu.memory_space<hbm>> -> memref<50x16xi32, #tpu.memory_space<hbm>>
            %dma_start3A_180 = arith.constant 0 : i32
            %dma_start3A_181 = arith.constant 0 : i32
            %dma_start3A_182 = tpu.memref_slice %arg5[%run_scoped3A_155, %dma_start3A_180, %dma_start3A_181] : memref<2x50x16xi32, #tpu.memory_space<vmem>> -> memref<1x50x16xi32, #tpu.memory_space<vmem>>
            %dma_start3A_183 = tpu.memref_squeeze %dma_start3A_182 : memref<1x50x16xi32, #tpu.memory_space<vmem>> -> memref<50x16xi32, #tpu.memory_space<vmem>>
            %dma_start3A_184 = tpu.memref_slice %arg2[%mul3A_149, %add3A_154] : memref<100x16384xi32, #tpu.memory_space<hbm>> -> memref<50x16xi32, #tpu.memory_space<hbm>>
            tpu.enqueue_dma source(%dma_start3A_184 : memref<50x16xi32, #tpu.memory_space<hbm>>) target(%dma_start3A_183 : memref<50x16xi32, #tpu.memory_space<vmem>>) target_semaphore(%run_scoped3A_174 : memref<!tpu.dma_semaphore, #tpu.memory_space<semaphore_mem>>)
            %dma_wait3A_185 = arith.constant 0 : i32
            %dma_wait3A_186 = arith.constant 0 : i32
            %dma_wait3A_187 = tpu.memref_slice %arg5[%run_scoped3A_155, %dma_wait3A_185, %dma_wait3A_186] : memref<2x50x16xi32, #tpu.memory_space<vmem>> -> memref<1x50x16xi32, #tpu.memory_space<vmem>>
            %dma_wait3A_188 = tpu.memref_squeeze %dma_wait3A_187 : memref<1x50x16xi32, #tpu.memory_space<vmem>> -> memref<50x16xi32, #tpu.memory_space<vmem>>
            %dma_wait3A_189 = tpu.memref_slice %arg2[%mul3A_149, %add3A_154] : memref<100x16384xi32, #tpu.memory_space<hbm>> -> memref<50x16xi32, #tpu.memory_space<hbm>>
            %dma_wait3A_190 = arith.constant 0 : i32
            %dma_wait3A_191 = arith.constant 0 : i32
            %dma_wait3A_192 = tpu.memref_slice %arg5[%run_scoped3A_155, %dma_wait3A_190, %dma_wait3A_191] : memref<2x50x16xi32, #tpu.memory_space<vmem>> -> memref<1x50x16xi32, #tpu.memory_space<vmem>>
            %dma_wait3A_193 = tpu.memref_squeeze %dma_wait3A_192 : memref<1x50x16xi32, #tpu.memory_space<vmem>> -> memref<50x16xi32, #tpu.memory_space<vmem>>
            %dma_wait3A_194 = tpu.memref_slice %arg2[%mul3A_149, %add3A_154] : memref<100x16384xi32, #tpu.memory_space<hbm>> -> memref<50x16xi32, #tpu.memory_space<hbm>>
            tpu.wait_dma2 semaphore(%run_scoped3A_174 : memref<!tpu.dma_semaphore, #tpu.memory_space<semaphore_mem>>) src(%dma_wait3A_194 : memref<50x16xi32, #tpu.memory_space<hbm>>) dst(%dma_wait3A_193 : memref<50x16xi32, #tpu.memory_space<vmem>>)
            tpu.yield
          }) : () -> ()
          %scan3A_156 = arith.constant 0 : i32
          %scan3A_157 = arith.constant 0 : i32
          %scan3A_158 = arith.constant 50 : i32
          %scan3A_159 = arith.addi %scan3A_157, %scan3A_158 : i32
          %scan3A_160 = arith.constant 1 : i32
          scf.for %scan3A_174 = %scan3A_157 to %scan3A_159 step %scan3A_160  : i32 {
            %get3A = arith.constant 1 : i32
            %get3A_175 = arith.index_cast %get3A : i32 to index
            %get3A_176 = arith.index_cast %scan3A_174 : i32 to index
            %get3A_177 = arith.constant 0 : index
            %get3A_178 = tpu.vector_load %arg5[%get3A_175, %get3A_176, %get3A_177] {strides = array<i32>} : memref<2x50x16xi32, #tpu.memory_space<vmem>>, vector<16xi32>,
            %mul3A_179 = arith.constant 16 : i32
            %mul3A_180 = arith.muli %scan3A_174, %mul3A_179 : i32
            %swap3A = arith.constant 1 : i32
            %swap3A_181 = arith.index_cast %swap3A : i32 to index
            %swap3A_182 = arith.index_cast %mul3A_180 : i32 to index
            %swap3A_183 = tpu.vector_load %arg6[%swap3A_181, %swap3A_182] {strides = array<i32>} : memref<2x800xi32, #tpu.memory_space<vmem>>, vector<16xi32>,
            tpu.vector_store %arg6[%swap3A_181, %swap3A_182], %get3A_178 {strides = array<i32>} : memref<2x800xi32, #tpu.memory_space<vmem>>, vector<16xi32>,
          }
          %scan3A_161 = arith.constant 50 : i32
          %dma_start3A_162 = arith.constant 1 : i32
          %dma_start3A_163 = arith.constant 1 : i32
          %dma_start3A_164 = arith.constant 0 : i32
          %dma_start3A_165 = arith.constant 0 : i32
          %dma_start3A_166 = tpu.memref_slice %arg7[%dma_start3A_163, %dma_start3A_164, %dma_start3A_165] : memref<2x800x32xf32, #tpu.memory_space<vmem>> -> memref<1x800x32xf32, #tpu.memory_space<vmem>>
          %dma_start3A_167 = tpu.memref_squeeze %dma_start3A_166 : memref<1x800x32xf32, #tpu.memory_space<vmem>> -> memref<800x32xf32, #tpu.memory_space<vmem>>
          %dma_start3A_168 = arith.constant 0 : i32
          %dma_start3A_169 = tpu.memref_slice %arg6[%dma_start3A_162, %dma_start3A_168] : memref<2x800xi32, #tpu.memory_space<vmem>> -> memref<1x800xi32, #tpu.memory_space<vmem>>
          %dma_start3A_170 = tpu.memref_squeeze %dma_start3A_169 : memref<1x800xi32, #tpu.memory_space<vmem>> -> memref<800xi32, #tpu.memory_space<vmem>>
          %dma_start3A_171 = arith.constant 0 : i32
          %dma_start3A_172 = arith.constant 0 : i32
          %dma_start3A_173 = tpu.memref_slice %arg3[%dma_start3A_171, %dma_start3A_172] : memref<1000000x32xf32, #tpu.memory_space<hbm>> -> memref<1000000x32xf32, #tpu.memory_space<hbm>>
          tpu.enqueue_indirect_dma source(%dma_start3A_173 : memref<1000000x32xf32, #tpu.memory_space<hbm>>) target(%dma_start3A_167 : memref<800x32xf32, #tpu.memory_space<vmem>>) offsets(%dma_start3A_170 : memref<800xi32, #tpu.memory_space<vmem>>) semaphore(%arg10 : memref<!tpu.dma_semaphore, #tpu.memory_space<semaphore_mem>>)
        } else {
        }
        %eq3A_139 = arith.constant 1 : i32
        %eq3A_140 = arith.cmpi eq, %rem3A_118, %eq3A_139 : i32
        %convert_element_type3A_141 = arith.extui %eq3A_140 : i1 to i32
        %cond3A_142 = arith.constant 0 : i32
        %cond3A_143 = arith.cmpi ne, %convert_element_type3A_141, %cond3A_142 : i32
        scf.if %cond3A_143 {
          %add3A_144 = arith.constant 1 : i32
          %add3A_145 = arith.addi %scan3A_116, %add3A_144 : i32
          %rem3A_146 = arith.constant 2 : i32
          %rem3A_147 = arith.remsi %add3A_145, %rem3A_146 : i32
          %mul3A_148 = arith.constant 50 : i32
          %mul3A_149 = arith.muli %rem3A_147, %mul3A_148 : i32
          %div3A_150 = arith.constant 2 : i32
          %div3A_151 = arith.divsi %add3A_145, %div3A_150 : i32
          %mul3A_152 = arith.constant 16 : i32
          %mul3A_153 = arith.muli %div3A_151, %mul3A_152 : i32
          %add3A_154 = arith.addi %mul3A_2, %mul3A_153 : i32
          %run_scoped3A_155 = arith.constant 0 : i32
          "tpu.region"() ({
            %run_scoped3A_174 = tpu.sem_alloc : memref<!tpu.dma_semaphore, #tpu.memory_space<semaphore_mem>>
            %dma_start3A_175 = arith.constant 0 : i32
            %dma_start3A_176 = arith.constant 0 : i32
            %dma_start3A_177 = tpu.memref_slice %arg5[%run_scoped3A_155, %dma_start3A_175, %dma_start3A_176] : memref<2x50x16xi32, #tpu.memory_space<vmem>> -> memref<1x50x16xi32, #tpu.memory_space<vmem>>
            %dma_start3A_178 = tpu.memref_squeeze %dma_start3A_177 : memref<1x50x16xi32, #tpu.memory_space<vmem>> -> memref<50x16xi32, #tpu.memory_space<vmem>>
            %dma_start3A_179 = tpu.memref_slice %arg2[%mul3A_149, %add3A_154] : memref<100x16384xi32, #tpu.memory_space<hbm>> -> memref<50x16xi32, #tpu.memory_space<hbm>>
            %dma_start3A_180 = arith.constant 0 : i32
            %dma_start3A_181 = arith.constant 0 : i32
            %dma_start3A_182 = tpu.memref_slice %arg5[%run_scoped3A_155, %dma_start3A_180, %dma_start3A_181] : memref<2x50x16xi32, #tpu.memory_space<vmem>> -> memref<1x50x16xi32, #tpu.memory_space<vmem>>
            %dma_start3A_183 = tpu.memref_squeeze %dma_start3A_182 : memref<1x50x16xi32, #tpu.memory_space<vmem>> -> memref<50x16xi32, #tpu.memory_space<vmem>>
            %dma_start3A_184 = tpu.memref_slice %arg2[%mul3A_149, %add3A_154] : memref<100x16384xi32, #tpu.memory_space<hbm>> -> memref<50x16xi32, #tpu.memory_space<hbm>>
            tpu.enqueue_dma source(%dma_start3A_184 : memref<50x16xi32, #tpu.memory_space<hbm>>) target(%dma_start3A_183 : memref<50x16xi32, #tpu.memory_space<vmem>>) target_semaphore(%run_scoped3A_174 : memref<!tpu.dma_semaphore, #tpu.memory_space<semaphore_mem>>)
            %dma_wait3A_185 = arith.constant 0 : i32
            %dma_wait3A_186 = arith.constant 0 : i32
            %dma_wait3A_187 = tpu.memref_slice %arg5[%run_scoped3A_155, %dma_wait3A_185, %dma_wait3A_186] : memref<2x50x16xi32, #tpu.memory_space<vmem>> -> memref<1x50x16xi32, #tpu.memory_space<vmem>>
            %dma_wait3A_188 = tpu.memref_squeeze %dma_wait3A_187 : memref<1x50x16xi32, #tpu.memory_space<vmem>> -> memref<50x16xi32, #tpu.memory_space<vmem>>
            %dma_wait3A_189 = tpu.memref_slice %arg2[%mul3A_149, %add3A_154] : memref<100x16384xi32, #tpu.memory_space<hbm>> -> memref<50x16xi32, #tpu.memory_space<hbm>>
            %dma_wait3A_190 = arith.constant 0 : i32
            %dma_wait3A_191 = arith.constant 0 : i32
            %dma_wait3A_192 = tpu.memref_slice %arg5[%run_scoped3A_155, %dma_wait3A_190, %dma_wait3A_191] : memref<2x50x16xi32, #tpu.memory_space<vmem>> -> memref<1x50x16xi32, #tpu.memory_space<vmem>>
            %dma_wait3A_193 = tpu.memref_squeeze %dma_wait3A_192 : memref<1x50x16xi32, #tpu.memory_space<vmem>> -> memref<50x16xi32, #tpu.memory_space<vmem>>
            %dma_wait3A_194 = tpu.memref_slice %arg2[%mul3A_149, %add3A_154] : memref<100x16384xi32, #tpu.memory_space<hbm>> -> memref<50x16xi32, #tpu.memory_space<hbm>>
            tpu.wait_dma2 semaphore(%run_scoped3A_174 : memref<!tpu.dma_semaphore, #tpu.memory_space<semaphore_mem>>) src(%dma_wait3A_194 : memref<50x16xi32, #tpu.memory_space<hbm>>) dst(%dma_wait3A_193 : memref<50x16xi32, #tpu.memory_space<vmem>>)
            tpu.yield
          }) : () -> ()
          %scan3A_156 = arith.constant 0 : i32
          %scan3A_157 = arith.constant 0 : i32
          %scan3A_158 = arith.constant 50 : i32
          %scan3A_159 = arith.addi %scan3A_157, %scan3A_158 : i32
          %scan3A_160 = arith.constant 1 : i32
          scf.for %scan3A_174 = %scan3A_157 to %scan3A_159 step %scan3A_160  : i32 {
            %get3A = arith.constant 0 : i32
            %get3A_175 = arith.index_cast %get3A : i32 to index
            %get3A_176 = arith.index_cast %scan3A_174 : i32 to index
            %get3A_177 = arith.constant 0 : index
            %get3A_178 = tpu.vector_load %arg5[%get3A_175, %get3A_176, %get3A_177] {strides = array<i32>} : memref<2x50x16xi32, #tpu.memory_space<vmem>>, vector<16xi32>,
            %mul3A_179 = arith.constant 16 : i32
            %mul3A_180 = arith.muli %scan3A_174, %mul3A_179 : i32
            %swap3A = arith.constant 0 : i32
            %swap3A_181 = arith.index_cast %swap3A : i32 to index
            %swap3A_182 = arith.index_cast %mul3A_180 : i32 to index
            %swap3A_183 = tpu.vector_load %arg6[%swap3A_181, %swap3A_182] {strides = array<i32>} : memref<2x800xi32, #tpu.memory_space<vmem>>, vector<16xi32>,
            tpu.vector_store %arg6[%swap3A_181, %swap3A_182], %get3A_178 {strides = array<i32>} : memref<2x800xi32, #tpu.memory_space<vmem>>, vector<16xi32>,
          }
          %scan3A_161 = arith.constant 50 : i32
          %dma_start3A_162 = arith.constant 0 : i32
          %dma_start3A_163 = arith.constant 0 : i32
          %dma_start3A_164 = arith.constant 0 : i32
          %dma_start3A_165 = arith.constant 0 : i32
          %dma_start3A_166 = tpu.memref_slice %arg7[%dma_start3A_163, %dma_start3A_164, %dma_start3A_165] : memref<2x800x32xf32, #tpu.memory_space<vmem>> -> memref<1x800x32xf32, #tpu.memory_space<vmem>>
          %dma_start3A_167 = tpu.memref_squeeze %dma_start3A_166 : memref<1x800x32xf32, #tpu.memory_space<vmem>> -> memref<800x32xf32, #tpu.memory_space<vmem>>
          %dma_start3A_168 = arith.constant 0 : i32
          %dma_start3A_169 = tpu.memref_slice %arg6[%dma_start3A_162, %dma_start3A_168] : memref<2x800xi32, #tpu.memory_space<vmem>> -> memref<1x800xi32, #tpu.memory_space<vmem>>
          %dma_start3A_170 = tpu.memref_squeeze %dma_start3A_169 : memref<1x800xi32, #tpu.memory_space<vmem>> -> memref<800xi32, #tpu.memory_space<vmem>>
          %dma_start3A_171 = arith.constant 0 : i32
          %dma_start3A_172 = arith.constant 0 : i32
          %dma_start3A_173 = tpu.memref_slice %arg3[%dma_start3A_171, %dma_start3A_172] : memref<1000000x32xf32, #tpu.memory_space<hbm>> -> memref<1000000x32xf32, #tpu.memory_space<hbm>>
          tpu.enqueue_indirect_dma source(%dma_start3A_173 : memref<1000000x32xf32, #tpu.memory_space<hbm>>) target(%dma_start3A_167 : memref<800x32xf32, #tpu.memory_space<vmem>>) offsets(%dma_start3A_170 : memref<800xi32, #tpu.memory_space<vmem>>) semaphore(%arg9 : memref<!tpu.dma_semaphore, #tpu.memory_space<semaphore_mem>>)
        } else {
        }
      } else {
      }
      %eq3A_124 = arith.constant 0 : i32
      %eq3A_125 = arith.cmpi eq, %rem3A_118, %eq3A_124 : i32
      %convert_element_type3A_126 = arith.extui %eq3A_125 : i1 to i32
      %cond3A_127 = arith.constant 0 : i32
      %cond3A_128 = arith.cmpi ne, %convert_element_type3A_126, %cond3A_127 : i32
      scf.if %cond3A_128 {
        %dma_wait3A_134 = arith.constant 0 : i32
        %dma_wait3A_135 = arith.constant 0 : i32
        %dma_wait3A_136 = arith.constant 0 : i32
        %dma_wait3A_137 = tpu.memref_slice %arg7[%dma_wait3A_134, %dma_wait3A_135, %dma_wait3A_136] : memref<2x800x32xf32, #tpu.memory_space<vmem>> -> memref<1x800x32xf32, #tpu.memory_space<vmem>>
        %dma_wait3A_138 = tpu.memref_squeeze %dma_wait3A_137 : memref<1x800x32xf32, #tpu.memory_space<vmem>> -> memref<800x32xf32, #tpu.memory_space<vmem>>
        %dma_wait3A_139 = arith.constant 0 : i32
        %dma_wait3A_140 = arith.constant 0 : i32
        %dma_wait3A_141 = tpu.memref_slice %arg3[%dma_wait3A_139, %dma_wait3A_140] : memref<1000000x32xf32, #tpu.memory_space<hbm>> -> memref<800x32xf32, #tpu.memory_space<hbm>>
        %dma_wait3A_142 = arith.constant 0 : i32
        %dma_wait3A_143 = arith.constant 0 : i32
        %dma_wait3A_144 = tpu.memref_slice %arg7[%dma_wait3A_134, %dma_wait3A_142, %dma_wait3A_143] : memref<2x800x32xf32, #tpu.memory_space<vmem>> -> memref<1x800x32xf32, #tpu.memory_space<vmem>>
        %dma_wait3A_145 = tpu.memref_squeeze %dma_wait3A_144 : memref<1x800x32xf32, #tpu.memory_space<vmem>> -> memref<800x32xf32, #tpu.memory_space<vmem>>
        %dma_wait3A_146 = arith.constant 0 : i32
        %dma_wait3A_147 = arith.constant 0 : i32
        %dma_wait3A_148 = tpu.memref_slice %arg3[%dma_wait3A_146, %dma_wait3A_147] : memref<1000000x32xf32, #tpu.memory_space<hbm>> -> memref<800x32xf32, #tpu.memory_space<hbm>>
        tpu.wait_dma2 semaphore(%arg9 : memref<!tpu.dma_semaphore, #tpu.memory_space<semaphore_mem>>) src(%dma_wait3A_148 : memref<800x32xf32, #tpu.memory_space<hbm>>) dst(%dma_wait3A_145 : memref<800x32xf32, #tpu.memory_space<vmem>>)
        %ge3A = arith.constant 2 : i32
        %ge3A_149 = arith.cmpi sge, %scan3A_116, %ge3A : i32
        %convert_element_type3A_150 = arith.extui %ge3A_149 : i1 to i32
        %cond3A_151 = arith.constant 0 : i32
        %cond3A_152 = arith.cmpi ne, %convert_element_type3A_150, %cond3A_151 : i32
        scf.if %cond3A_152 {
          %jit3A_193 = arith.constant 128 : i32
          %eq3A_194 = arith.constant 0 : i32
          %eq3A_195 = arith.cmpi eq, %jit3A_193, %eq3A_194 : i32
          %jit3A_196 = arith.constant 1 : i32
          %select_n3A_197 = arith.select %eq3A_195, %jit3A_196, %jit3A_193 : i32
          %rem3A_198 = arith.remsi %mul3A_2, %select_n3A_197 : i32
          %ne3A_199 = arith.constant 0 : i32
          %ne3A_200 = arith.cmpi ne, %rem3A_198, %ne3A_199 : i32
          %lt3A_201 = arith.constant 0 : i32
          %lt3A_202 = arith.cmpi slt, %rem3A_198, %lt3A_201 : i32
          %lt3A_203 = arith.constant 0 : i32
          %lt3A_204 = arith.cmpi slt, %select_n3A_197, %lt3A_203 : i32
          %ne3A_205 = arith.xori %lt3A_202, %lt3A_204 : i1
          %and3A_206 = arith.andi %ne3A_205, %ne3A_200 : i1
          %add3A_207 = arith.addi %rem3A_198, %select_n3A_197 : i32
          %select_n3A_208 = arith.select %and3A_206, %add3A_207, %rem3A_198 : i32
          %dma_wait3A_209 = arith.constant 0 : i32
          %dma_wait3A_210 = arith.constant 0 : i32
          %dma_wait3A_211 = arith.constant 0 : i32
          %dma_wait3A_212 = arith.constant 0 : i32
          %dma_wait3A_213 = arith.constant 0 : i32
          %dma_wait3A_214 = arith.constant 0 : i32
          %dma_wait3A_215 = tpu.memref_slice %arg8[%dma_wait3A_209, %dma_wait3A_211, %dma_wait3A_212, %dma_wait3A_213, %dma_wait3A_214] : memref<2x50x4x8x16xf32, #tpu.memory_space<vmem>> -> memref<1x50x4x8x16xf32, #tpu.memory_space<vmem>>
          %dma_wait3A_216 = tpu.memref_squeeze %dma_wait3A_215 : memref<1x50x4x8x16xf32, #tpu.memory_space<vmem>> -> memref<50x4x8x16xf32, #tpu.memory_space<vmem>>
          %dma_wait3A_217 = arith.constant 0 : i32
          %dma_wait3A_218 = arith.constant 0 : i32
          %dma_wait3A_219 = arith.constant 0 : i32
          %dma_wait3A_220 = tpu.memref_slice %arg4[%dma_wait3A_217, %dma_wait3A_218, %dma_wait3A_210, %dma_wait3A_219, %select_n3A_208] : memref<100x4x128x8x128xf32, #tpu.memory_space<hbm>> -> memref<50x4x1x8x16xf32, #tpu.memory_space<hbm>>
          %dma_wait3A_221 = tpu.memref_squeeze %dma_wait3A_220 : memref<50x4x1x8x16xf32, #tpu.memory_space<hbm>> -> memref<50x4x8x16xf32, #tpu.memory_space<hbm>>
          %dma_wait3A_222 = arith.constant 0 : i32
          %dma_wait3A_223 = arith.constant 0 : i32
          %dma_wait3A_224 = arith.constant 0 : i32
          %dma_wait3A_225 = tpu.memref_slice %arg4[%dma_wait3A_222, %dma_wait3A_223, %dma_wait3A_210, %dma_wait3A_224, %select_n3A_208] : memref<100x4x128x8x128xf32, #tpu.memory_space<hbm>> -> memref<50x4x1x8x16xf32, #tpu.memory_space<hbm>>
          %dma_wait3A_226 = tpu.memref_squeeze %dma_wait3A_225 : memref<50x4x1x8x16xf32, #tpu.memory_space<hbm>> -> memref<50x4x8x16xf32, #tpu.memory_space<hbm>>
          %dma_wait3A_227 = arith.constant 0 : i32
          %dma_wait3A_228 = arith.constant 0 : i32
          %dma_wait3A_229 = arith.constant 0 : i32
          %dma_wait3A_230 = arith.constant 0 : i32
          %dma_wait3A_231 = tpu.memref_slice %arg8[%dma_wait3A_209, %dma_wait3A_227, %dma_wait3A_228, %dma_wait3A_229, %dma_wait3A_230] : memref<2x50x4x8x16xf32, #tpu.memory_space<vmem>> -> memref<1x50x4x8x16xf32, #tpu.memory_space<vmem>>
          %dma_wait3A_232 = tpu.memref_squeeze %dma_wait3A_231 : memref<1x50x4x8x16xf32, #tpu.memory_space<vmem>> -> memref<50x4x8x16xf32, #tpu.memory_space<vmem>>
          tpu.wait_dma2 semaphore(%arg11 : memref<!tpu.dma_semaphore, #tpu.memory_space<semaphore_mem>>) src(%dma_wait3A_232 : memref<50x4x8x16xf32, #tpu.memory_space<vmem>>) dst(%dma_wait3A_226 : memref<50x4x8x16xf32, #tpu.memory_space<hbm>>)
        } else {
        }
        %scan3A_153 = arith.constant 0 : i32
        %scan3A_154 = arith.constant 0 : i32
        %scan3A_155 = arith.constant 50 : i32
        %scan3A_156 = arith.addi %scan3A_154, %scan3A_155 : i32
        %scan3A_157 = arith.constant 1 : i32
        scf.for %scan3A_193 = %scan3A_154 to %scan3A_156 step %scan3A_157  : i32 {
          %broadcast_in_dim3A = arith.constant 0 : i32
          %broadcast_in_dim3A_194 = vector.broadcast %broadcast_in_dim3A : i32 to vector<16xi32>
          %add3A_195 = vector.broadcast %scan3A_193 : i32 to vector<16xi32>
          %add3A_196 = arith.addi %broadcast_in_dim3A_194, %add3A_195 : vector<16xi32>
          %mul3A_197 = arith.constant 16 : i32
          %mul3A_198 = arith.muli %scan3A_193, %mul3A_197 : i32
          %add3A_199 = arith.constant 0 : i32
          %add3A_200 = arith.addi %mul3A_198, %add3A_199 : i32
          %get3A = arith.constant 0 : i32
          %get3A_201 = arith.index_cast %get3A : i32 to index
          %get3A_202 = arith.index_cast %add3A_200 : i32 to index
          %get3A_203 = arith.constant 0 : index
          %get3A_204 = tpu.vector_load %arg7[%get3A_201, %get3A_202, %get3A_203] {strides = array<i32>} : memref<2x800x32xf32, #tpu.memory_space<vmem>>, vector<16xf32>,
          %get3A_205 = arith.constant 0 : i32
          %get3A_206 = arith.index_cast %get3A_205 : i32 to index
          %get3A_207 = arith.index_cast %add3A_200 : i32 to index
          %get3A_208 = arith.constant 16 : index
          %get3A_209 = tpu.vector_load %arg7[%get3A_206, %get3A_207, %get3A_208] {strides = array<i32>} : memref<2x800x32xf32, #tpu.memory_space<vmem>>, vector<16xf32>,
          %add3A_210 = arith.constant 1 : i32
          %add3A_211 = arith.addi %add3A_200, %add3A_210 : i32
          %get3A_212 = arith.constant 0 : i32
          %get3A_213 = arith.index_cast %get3A_212 : i32 to index
          %get3A_214 = arith.index_cast %add3A_211 : i32 to index
          %get3A_215 = arith.constant 0 : index
          %get3A_216 = tpu.vector_load %arg7[%get3A_213, %get3A_214, %get3A_215] {strides = array<i32>} : memref<2x800x32xf32, #tpu.memory_space<vmem>>, vector<16xf32>,
          %add3A_217 = arith.constant 1 : i32
          %add3A_218 = arith.addi %add3A_200, %add3A_217 : i32
          %get3A_219 = arith.constant 0 : i32
          %get3A_220 = arith.index_cast %get3A_219 : i32 to index
          %get3A_221 = arith.index_cast %add3A_218 : i32 to index
          %get3A_222 = arith.constant 16 : index
          %get3A_223 = tpu.vector_load %arg7[%get3A_220, %get3A_221, %get3A_222] {strides = array<i32>} : memref<2x800x32xf32, #tpu.memory_space<vmem>>, vector<16xf32>,
          %broadcast_in_dim3A_224 = arith.constant 0 : i32
          %broadcast_in_dim3A_225 = vector.broadcast %broadcast_in_dim3A_224 : i32 to vector<16xi32>
          %broadcast_in_dim3A_226 = arith.constant 1 : i32
          %broadcast_in_dim3A_227 = vector.broadcast %broadcast_in_dim3A_226 : i32 to vector<16xi32>
          %scatter3A = arith.constant 0 : i32
          %scatter3A_228 = arith.constant 0 : i32
          %scatter3A_229 = arith.constant 0 : i32
          %scatter3A_230 = arith.constant 0 : i32
          %scatter3A_231 = arith.constant 0 : i32
          %scatter3A_232 = tpu.memref_slice %arg8[%scatter3A, %scatter3A_228, %scatter3A_229, %scatter3A_230, %scatter3A_231] : memref<2x50x4x8x16xf32, #tpu.memory_space<vmem>> -> memref<1x50x4x8x16xf32, #tpu.memory_space<vmem>>
          %scatter3A_233 = tpu.memref_squeeze %scatter3A_232 : memref<1x50x4x8x16xf32, #tpu.memory_space<vmem>> -> memref<50x4x8x16xf32, #tpu.memory_space<vmem>>
          tpu.vector_store_idx %scatter3A_233[%add3A_196, %div3A_4, %rem3A_9, %broadcast_in_dim3A_225], %get3A_204 : memref<50x4x8x16xf32, #tpu.memory_space<vmem>>[vector<16xi32>, vector<16xi32>, vector<16xi32>, vector<16xi32>], vector<16xf32>,
          %scatter3A_234 = arith.constant 0 : i32
          %scatter3A_235 = arith.constant 0 : i32
          %scatter3A_236 = arith.constant 0 : i32
          %scatter3A_237 = arith.constant 0 : i32
          %scatter3A_238 = arith.constant 0 : i32
          %scatter3A_239 = tpu.memref_slice %arg8[%scatter3A_234, %scatter3A_235, %scatter3A_236, %scatter3A_237, %scatter3A_238] : memref<2x50x4x8x16xf32, #tpu.memory_space<vmem>> -> memref<1x50x4x8x16xf32, #tpu.memory_space<vmem>>
          %scatter3A_240 = tpu.memref_squeeze %scatter3A_239 : memref<1x50x4x8x16xf32, #tpu.memory_space<vmem>> -> memref<50x4x8x16xf32, #tpu.memory_space<vmem>>
          tpu.vector_store_idx %scatter3A_240[%add3A_196, %add3A_7, %rem3A_9, %broadcast_in_dim3A_225], %get3A_209 : memref<50x4x8x16xf32, #tpu.memory_space<vmem>>[vector<16xi32>, vector<16xi32>, vector<16xi32>, vector<16xi32>], vector<16xf32>,
          %scatter3A_241 = arith.constant 0 : i32
          %scatter3A_242 = arith.constant 0 : i32
          %scatter3A_243 = arith.constant 0 : i32
          %scatter3A_244 = arith.constant 0 : i32
          %scatter3A_245 = arith.constant 0 : i32
          %scatter3A_246 = tpu.memref_slice %arg8[%scatter3A_241, %scatter3A_242, %scatter3A_243, %scatter3A_244, %scatter3A_245] : memref<2x50x4x8x16xf32, #tpu.memory_space<vmem>> -> memref<1x50x4x8x16xf32, #tpu.memory_space<vmem>>
          %scatter3A_247 = tpu.memref_squeeze %scatter3A_246 : memref<1x50x4x8x16xf32, #tpu.memory_space<vmem>> -> memref<50x4x8x16xf32, #tpu.memory_space<vmem>>
          tpu.vector_store_idx %scatter3A_247[%add3A_196, %div3A_4, %rem3A_9, %broadcast_in_dim3A_227], %get3A_216 : memref<50x4x8x16xf32, #tpu.memory_space<vmem>>[vector<16xi32>, vector<16xi32>, vector<16xi32>, vector<16xi32>], vector<16xf32>,
          %scatter3A_248 = arith.constant 0 : i32
          %scatter3A_249 = arith.constant 0 : i32
          %scatter3A_250 = arith.constant 0 : i32
          %scatter3A_251 = arith.constant 0 : i32
          %scatter3A_252 = arith.constant 0 : i32
          %scatter3A_253 = tpu.memref_slice %arg8[%scatter3A_248, %scatter3A_249, %scatter3A_250, %scatter3A_251, %scatter3A_252] : memref<2x50x4x8x16xf32, #tpu.memory_space<vmem>> -> memref<1x50x4x8x16xf32, #tpu.memory_space<vmem>>
          %scatter3A_254 = tpu.memref_squeeze %scatter3A_253 : memref<1x50x4x8x16xf32, #tpu.memory_space<vmem>> -> memref<50x4x8x16xf32, #tpu.memory_space<vmem>>
          tpu.vector_store_idx %scatter3A_254[%add3A_196, %add3A_7, %rem3A_9, %broadcast_in_dim3A_227], %get3A_223 : memref<50x4x8x16xf32, #tpu.memory_space<vmem>>[vector<16xi32>, vector<16xi32>, vector<16xi32>, vector<16xi32>], vector<16xf32>,
          %mul3A_255 = arith.constant 16 : i32
          %mul3A_256 = arith.muli %scan3A_193, %mul3A_255 : i32
          %add3A_257 = arith.constant 2 : i32
          %add3A_258 = arith.addi %mul3A_256, %add3A_257 : i32
          %get3A_259 = arith.constant 0 : i32
          %get3A_260 = arith.index_cast %get3A_259 : i32 to index
          %get3A_261 = arith.index_cast %add3A_258 : i32 to index
          %get3A_262 = arith.constant 0 : index
          %get3A_263 = tpu.vector_load %arg7[%get3A_260, %get3A_261, %get3A_262] {strides = array<i32>} : memref<2x800x32xf32, #tpu.memory_space<vmem>>, vector<16xf32>,
          %get3A_264 = arith.constant 0 : i32
          %get3A_265 = arith.index_cast %get3A_264 : i32 to index
          %get3A_266 = arith.index_cast %add3A_258 : i32 to index
          %get3A_267 = arith.constant 16 : index
          %get3A_268 = tpu.vector_load %arg7[%get3A_265, %get3A_266, %get3A_267] {strides = array<i32>} : memref<2x800x32xf32, #tpu.memory_space<vmem>>, vector<16xf32>,
          %add3A_269 = arith.constant 1 : i32
          %add3A_270 = arith.addi %add3A_258, %add3A_269 : i32
          %get3A_271 = arith.constant 0 : i32
          %get3A_272 = arith.index_cast %get3A_271 : i32 to index
          %get3A_273 = arith.index_cast %add3A_270 : i32 to index
          %get3A_274 = arith.constant 0 : index
          %get3A_275 = tpu.vector_load %arg7[%get3A_272, %get3A_273, %get3A_274] {strides = array<i32>} : memref<2x800x32xf32, #tpu.memory_space<vmem>>, vector<16xf32>,
          %add3A_276 = arith.constant 1 : i32
          %add3A_277 = arith.addi %add3A_258, %add3A_276 : i32
          %get3A_278 = arith.constant 0 : i32
          %get3A_279 = arith.index_cast %get3A_278 : i32 to index
          %get3A_280 = arith.index_cast %add3A_277 : i32 to index
          %get3A_281 = arith.constant 16 : index
          %get3A_282 = tpu.vector_load %arg7[%get3A_279, %get3A_280, %get3A_281] {strides = array<i32>} : memref<2x800x32xf32, #tpu.memory_space<vmem>>, vector<16xf32>,
          %broadcast_in_dim3A_283 = arith.constant 2 : i32
          %broadcast_in_dim3A_284 = vector.broadcast %broadcast_in_dim3A_283 : i32 to vector<16xi32>
          %broadcast_in_dim3A_285 = arith.constant 3 : i32
          %broadcast_in_dim3A_286 = vector.broadcast %broadcast_in_dim3A_285 : i32 to vector<16xi32>
          %scatter3A_287 = arith.constant 0 : i32
          %scatter3A_288 = arith.constant 0 : i32
          %scatter3A_289 = arith.constant 0 : i32
          %scatter3A_290 = arith.constant 0 : i32
          %scatter3A_291 = arith.constant 0 : i32
          %scatter3A_292 = tpu.memref_slice %arg8[%scatter3A_287, %scatter3A_288, %scatter3A_289, %scatter3A_290, %scatter3A_291] : memref<2x50x4x8x16xf32, #tpu.memory_space<vmem>> -> memref<1x50x4x8x16xf32, #tpu.memory_space<vmem>>
          %scatter3A_293 = tpu.memref_squeeze %scatter3A_292 : memref<1x50x4x8x16xf32, #tpu.memory_space<vmem>> -> memref<50x4x8x16xf32, #tpu.memory_space<vmem>>
          tpu.vector_store_idx %scatter3A_293[%add3A_196, %div3A_4, %rem3A_9, %broadcast_in_dim3A_284], %get3A_263 : memref<50x4x8x16xf32, #tpu.memory_space<vmem>>[vector<16xi32>, vector<16xi32>, vector<16xi32>, vector<16xi32>], vector<16xf32>,
          %scatter3A_294 = arith.constant 0 : i32
          %scatter3A_295 = arith.constant 0 : i32
          %scatter3A_296 = arith.constant 0 : i32
          %scatter3A_297 = arith.constant 0 : i32
          %scatter3A_298 = arith.constant 0 : i32
          %scatter3A_299 = tpu.memref_slice %arg8[%scatter3A_294, %scatter3A_295, %scatter3A_296, %scatter3A_297, %scatter3A_298] : memref<2x50x4x8x16xf32, #tpu.memory_space<vmem>> -> memref<1x50x4x8x16xf32, #tpu.memory_space<vmem>>
          %scatter3A_300 = tpu.memref_squeeze %scatter3A_299 : memref<1x50x4x8x16xf32, #tpu.memory_space<vmem>> -> memref<50x4x8x16xf32, #tpu.memory_space<vmem>>
          tpu.vector_store_idx %scatter3A_300[%add3A_196, %add3A_7, %rem3A_9, %broadcast_in_dim3A_284], %get3A_268 : memref<50x4x8x16xf32, #tpu.memory_space<vmem>>[vector<16xi32>, vector<16xi32>, vector<16xi32>, vector<16xi32>], vector<16xf32>,
          %scatter3A_301 = arith.constant 0 : i32
          %scatter3A_302 = arith.constant 0 : i32
          %scatter3A_303 = arith.constant 0 : i32
          %scatter3A_304 = arith.constant 0 : i32
          %scatter3A_305 = arith.constant 0 : i32
          %scatter3A_306 = tpu.memref_slice %arg8[%scatter3A_301, %scatter3A_302, %scatter3A_303, %scatter3A_304, %scatter3A_305] : memref<2x50x4x8x16xf32, #tpu.memory_space<vmem>> -> memref<1x50x4x8x16xf32, #tpu.memory_space<vmem>>
          %scatter3A_307 = tpu.memref_squeeze %scatter3A_306 : memref<1x50x4x8x16xf32, #tpu.memory_space<vmem>> -> memref<50x4x8x16xf32, #tpu.memory_space<vmem>>
          tpu.vector_store_idx %scatter3A_307[%add3A_196, %div3A_4, %rem3A_9, %broadcast_in_dim3A_286], %get3A_275 : memref<50x4x8x16xf32, #tpu.memory_space<vmem>>[vector<16xi32>, vector<16xi32>, vector<16xi32>, vector<16xi32>], vector<16xf32>,
          %scatter3A_308 = arith.constant 0 : i32
          %scatter3A_309 = arith.constant 0 : i32
          %scatter3A_310 = arith.constant 0 : i32
          %scatter3A_311 = arith.constant 0 : i32
          %scatter3A_312 = arith.constant 0 : i32
          %scatter3A_313 = tpu.memref_slice %arg8[%scatter3A_308, %scatter3A_309, %scatter3A_310, %scatter3A_311, %scatter3A_312] : memref<2x50x4x8x16xf32, #tpu.memory_space<vmem>> -> memref<1x50x4x8x16xf32, #tpu.memory_space<vmem>>
          %scatter3A_314 = tpu.memref_squeeze %scatter3A_313 : memref<1x50x4x8x16xf32, #tpu.memory_space<vmem>> -> memref<50x4x8x16xf32, #tpu.memory_space<vmem>>
          tpu.vector_store_idx %scatter3A_314[%add3A_196, %add3A_7, %rem3A_9, %broadcast_in_dim3A_286], %get3A_282 : memref<50x4x8x16xf32, #tpu.memory_space<vmem>>[vector<16xi32>, vector<16xi32>, vector<16xi32>, vector<16xi32>], vector<16xf32>,
          %mul3A_315 = arith.constant 16 : i32
          %mul3A_316 = arith.muli %scan3A_193, %mul3A_315 : i32
          %add3A_317 = arith.constant 4 : i32
          %add3A_318 = arith.addi %mul3A_316, %add3A_317 : i32
          %get3A_319 = arith.constant 0 : i32
          %get3A_320 = arith.index_cast %get3A_319 : i32 to index
          %get3A_321 = arith.index_cast %add3A_318 : i32 to index
          %get3A_322 = arith.constant 0 : index
          %get3A_323 = tpu.vector_load %arg7[%get3A_320, %get3A_321, %get3A_322] {strides = array<i32>} : memref<2x800x32xf32, #tpu.memory_space<vmem>>, vector<16xf32>,
          %get3A_324 = arith.constant 0 : i32
          %get3A_325 = arith.index_cast %get3A_324 : i32 to index
          %get3A_326 = arith.index_cast %add3A_318 : i32 to index
          %get3A_327 = arith.constant 16 : index
          %get3A_328 = tpu.vector_load %arg7[%get3A_325, %get3A_326, %get3A_327] {strides = array<i32>} : memref<2x800x32xf32, #tpu.memory_space<vmem>>, vector<16xf32>,
          %add3A_329 = arith.constant 1 : i32
          %add3A_330 = arith.addi %add3A_318, %add3A_329 : i32
          %get3A_331 = arith.constant 0 : i32
          %get3A_332 = arith.index_cast %get3A_331 : i32 to index
          %get3A_333 = arith.index_cast %add3A_330 : i32 to index
          %get3A_334 = arith.constant 0 : index
          %get3A_335 = tpu.vector_load %arg7[%get3A_332, %get3A_333, %get3A_334] {strides = array<i32>} : memref<2x800x32xf32, #tpu.memory_space<vmem>>, vector<16xf32>,
          %add3A_336 = arith.constant 1 : i32
          %add3A_337 = arith.addi %add3A_318, %add3A_336 : i32
          %get3A_338 = arith.constant 0 : i32
          %get3A_339 = arith.index_cast %get3A_338 : i32 to index
          %get3A_340 = arith.index_cast %add3A_337 : i32 to index
          %get3A_341 = arith.constant 16 : index
          %get3A_342 = tpu.vector_load %arg7[%get3A_339, %get3A_340, %get3A_341] {strides = array<i32>} : memref<2x800x32xf32, #tpu.memory_space<vmem>>, vector<16xf32>,
          %broadcast_in_dim3A_343 = arith.constant 4 : i32
          %broadcast_in_dim3A_344 = vector.broadcast %broadcast_in_dim3A_343 : i32 to vector<16xi32>
          %broadcast_in_dim3A_345 = arith.constant 5 : i32
          %broadcast_in_dim3A_346 = vector.broadcast %broadcast_in_dim3A_345 : i32 to vector<16xi32>
          %scatter3A_347 = arith.constant 0 : i32
          %scatter3A_348 = arith.constant 0 : i32
          %scatter3A_349 = arith.constant 0 : i32
          %scatter3A_350 = arith.constant 0 : i32
          %scatter3A_351 = arith.constant 0 : i32
          %scatter3A_352 = tpu.memref_slice %arg8[%scatter3A_347, %scatter3A_348, %scatter3A_349, %scatter3A_350, %scatter3A_351] : memref<2x50x4x8x16xf32, #tpu.memory_space<vmem>> -> memref<1x50x4x8x16xf32, #tpu.memory_space<vmem>>
          %scatter3A_353 = tpu.memref_squeeze %scatter3A_352 : memref<1x50x4x8x16xf32, #tpu.memory_space<vmem>> -> memref<50x4x8x16xf32, #tpu.memory_space<vmem>>
          tpu.vector_store_idx %scatter3A_353[%add3A_196, %div3A_4, %rem3A_9, %broadcast_in_dim3A_344], %get3A_323 : memref<50x4x8x16xf32, #tpu.memory_space<vmem>>[vector<16xi32>, vector<16xi32>, vector<16xi32>, vector<16xi32>], vector<16xf32>,
          %scatter3A_354 = arith.constant 0 : i32
          %scatter3A_355 = arith.constant 0 : i32
          %scatter3A_356 = arith.constant 0 : i32
          %scatter3A_357 = arith.constant 0 : i32
          %scatter3A_358 = arith.constant 0 : i32
          %scatter3A_359 = tpu.memref_slice %arg8[%scatter3A_354, %scatter3A_355, %scatter3A_356, %scatter3A_357, %scatter3A_358] : memref<2x50x4x8x16xf32, #tpu.memory_space<vmem>> -> memref<1x50x4x8x16xf32, #tpu.memory_space<vmem>>
          %scatter3A_360 = tpu.memref_squeeze %scatter3A_359 : memref<1x50x4x8x16xf32, #tpu.memory_space<vmem>> -> memref<50x4x8x16xf32, #tpu.memory_space<vmem>>
          tpu.vector_store_idx %scatter3A_360[%add3A_196, %add3A_7, %rem3A_9, %broadcast_in_dim3A_344], %get3A_328 : memref<50x4x8x16xf32, #tpu.memory_space<vmem>>[vector<16xi32>, vector<16xi32>, vector<16xi32>, vector<16xi32>], vector<16xf32>,
          %scatter3A_361 = arith.constant 0 : i32
          %scatter3A_362 = arith.constant 0 : i32
          %scatter3A_363 = arith.constant 0 : i32
          %scatter3A_364 = arith.constant 0 : i32
          %scatter3A_365 = arith.constant 0 : i32
          %scatter3A_366 = tpu.memref_slice %arg8[%scatter3A_361, %scatter3A_362, %scatter3A_363, %scatter3A_364, %scatter3A_365] : memref<2x50x4x8x16xf32, #tpu.memory_space<vmem>> -> memref<1x50x4x8x16xf32, #tpu.memory_space<vmem>>
          %scatter3A_367 = tpu.memref_squeeze %scatter3A_366 : memref<1x50x4x8x16xf32, #tpu.memory_space<vmem>> -> memref<50x4x8x16xf32, #tpu.memory_space<vmem>>
          tpu.vector_store_idx %scatter3A_367[%add3A_196, %div3A_4, %rem3A_9, %broadcast_in_dim3A_346], %get3A_335 : memref<50x4x8x16xf32, #tpu.memory_space<vmem>>[vector<16xi32>, vector<16xi32>, vector<16xi32>, vector<16xi32>], vector<16xf32>,
          %scatter3A_368 = arith.constant 0 : i32
          %scatter3A_369 = arith.constant 0 : i32
          %scatter3A_370 = arith.constant 0 : i32
          %scatter3A_371 = arith.constant 0 : i32
          %scatter3A_372 = arith.constant 0 : i32
          %scatter3A_373 = tpu.memref_slice %arg8[%scatter3A_368, %scatter3A_369, %scatter3A_370, %scatter3A_371, %scatter3A_372] : memref<2x50x4x8x16xf32, #tpu.memory_space<vmem>> -> memref<1x50x4x8x16xf32, #tpu.memory_space<vmem>>
          %scatter3A_374 = tpu.memref_squeeze %scatter3A_373 : memref<1x50x4x8x16xf32, #tpu.memory_space<vmem>> -> memref<50x4x8x16xf32, #tpu.memory_space<vmem>>
          tpu.vector_store_idx %scatter3A_374[%add3A_196, %add3A_7, %rem3A_9, %broadcast_in_dim3A_346], %get3A_342 : memref<50x4x8x16xf32, #tpu.memory_space<vmem>>[vector<16xi32>, vector<16xi32>, vector<16xi32>, vector<16xi32>], vector<16xf32>,
          %mul3A_375 = arith.constant 16 : i32
          %mul3A_376 = arith.muli %scan3A_193, %mul3A_375 : i32
          %add3A_377 = arith.constant 6 : i32
          %add3A_378 = arith.addi %mul3A_376, %add3A_377 : i32
          %get3A_379 = arith.constant 0 : i32
          %get3A_380 = arith.index_cast %get3A_379 : i32 to index
          %get3A_381 = arith.index_cast %add3A_378 : i32 to index
          %get3A_382 = arith.constant 0 : index
          %get3A_383 = tpu.vector_load %arg7[%get3A_380, %get3A_381, %get3A_382] {strides = array<i32>} : memref<2x800x32xf32, #tpu.memory_space<vmem>>, vector<16xf32>,
          %get3A_384 = arith.constant 0 : i32
          %get3A_385 = arith.index_cast %get3A_384 : i32 to index
          %get3A_386 = arith.index_cast %add3A_378 : i32 to index
          %get3A_387 = arith.constant 16 : index
          %get3A_388 = tpu.vector_load %arg7[%get3A_385, %get3A_386, %get3A_387] {strides = array<i32>} : memref<2x800x32xf32, #tpu.memory_space<vmem>>, vector<16xf32>,
          %add3A_389 = arith.constant 1 : i32
          %add3A_390 = arith.addi %add3A_378, %add3A_389 : i32
          %get3A_391 = arith.constant 0 : i32
          %get3A_392 = arith.index_cast %get3A_391 : i32 to index
          %get3A_393 = arith.index_cast %add3A_390 : i32 to index
          %get3A_394 = arith.constant 0 : index
          %get3A_395 = tpu.vector_load %arg7[%get3A_392, %get3A_393, %get3A_394] {strides = array<i32>} : memref<2x800x32xf32, #tpu.memory_space<vmem>>, vector<16xf32>,
          %add3A_396 = arith.constant 1 : i32
          %add3A_397 = arith.addi %add3A_378, %add3A_396 : i32
          %get3A_398 = arith.constant 0 : i32
          %get3A_399 = arith.index_cast %get3A_398 : i32 to index
          %get3A_400 = arith.index_cast %add3A_397 : i32 to index
          %get3A_401 = arith.constant 16 : index
          %get3A_402 = tpu.vector_load %arg7[%get3A_399, %get3A_400, %get3A_401] {strides = array<i32>} : memref<2x800x32xf32, #tpu.memory_space<vmem>>, vector<16xf32>,
          %broadcast_in_dim3A_403 = arith.constant 6 : i32
          %broadcast_in_dim3A_404 = vector.broadcast %broadcast_in_dim3A_403 : i32 to vector<16xi32>
          %broadcast_in_dim3A_405 = arith.constant 7 : i32
          %broadcast_in_dim3A_406 = vector.broadcast %broadcast_in_dim3A_405 : i32 to vector<16xi32>
          %scatter3A_407 = arith.constant 0 : i32
          %scatter3A_408 = arith.constant 0 : i32
          %scatter3A_409 = arith.constant 0 : i32
          %scatter3A_410 = arith.constant 0 : i32
          %scatter3A_411 = arith.constant 0 : i32
          %scatter3A_412 = tpu.memref_slice %arg8[%scatter3A_407, %scatter3A_408, %scatter3A_409, %scatter3A_410, %scatter3A_411] : memref<2x50x4x8x16xf32, #tpu.memory_space<vmem>> -> memref<1x50x4x8x16xf32, #tpu.memory_space<vmem>>
          %scatter3A_413 = tpu.memref_squeeze %scatter3A_412 : memref<1x50x4x8x16xf32, #tpu.memory_space<vmem>> -> memref<50x4x8x16xf32, #tpu.memory_space<vmem>>
          tpu.vector_store_idx %scatter3A_413[%add3A_196, %div3A_4, %rem3A_9, %broadcast_in_dim3A_404], %get3A_383 : memref<50x4x8x16xf32, #tpu.memory_space<vmem>>[vector<16xi32>, vector<16xi32>, vector<16xi32>, vector<16xi32>], vector<16xf32>,
          %scatter3A_414 = arith.constant 0 : i32
          %scatter3A_415 = arith.constant 0 : i32
          %scatter3A_416 = arith.constant 0 : i32
          %scatter3A_417 = arith.constant 0 : i32
          %scatter3A_418 = arith.constant 0 : i32
          %scatter3A_419 = tpu.memref_slice %arg8[%scatter3A_414, %scatter3A_415, %scatter3A_416, %scatter3A_417, %scatter3A_418] : memref<2x50x4x8x16xf32, #tpu.memory_space<vmem>> -> memref<1x50x4x8x16xf32, #tpu.memory_space<vmem>>
          %scatter3A_420 = tpu.memref_squeeze %scatter3A_419 : memref<1x50x4x8x16xf32, #tpu.memory_space<vmem>> -> memref<50x4x8x16xf32, #tpu.memory_space<vmem>>
          tpu.vector_store_idx %scatter3A_420[%add3A_196, %add3A_7, %rem3A_9, %broadcast_in_dim3A_404], %get3A_388 : memref<50x4x8x16xf32, #tpu.memory_space<vmem>>[vector<16xi32>, vector<16xi32>, vector<16xi32>, vector<16xi32>], vector<16xf32>,
          %scatter3A_421 = arith.constant 0 : i32
          %scatter3A_422 = arith.constant 0 : i32
          %scatter3A_423 = arith.constant 0 : i32
          %scatter3A_424 = arith.constant 0 : i32
          %scatter3A_425 = arith.constant 0 : i32
          %scatter3A_426 = tpu.memref_slice %arg8[%scatter3A_421, %scatter3A_422, %scatter3A_423, %scatter3A_424, %scatter3A_425] : memref<2x50x4x8x16xf32, #tpu.memory_space<vmem>> -> memref<1x50x4x8x16xf32, #tpu.memory_space<vmem>>
          %scatter3A_427 = tpu.memref_squeeze %scatter3A_426 : memref<1x50x4x8x16xf32, #tpu.memory_space<vmem>> -> memref<50x4x8x16xf32, #tpu.memory_space<vmem>>
          tpu.vector_store_idx %scatter3A_427[%add3A_196, %div3A_4, %rem3A_9, %broadcast_in_dim3A_406], %get3A_395 : memref<50x4x8x16xf32, #tpu.memory_space<vmem>>[vector<16xi32>, vector<16xi32>, vector<16xi32>, vector<16xi32>], vector<16xf32>,
          %scatter3A_428 = arith.constant 0 : i32
          %scatter3A_429 = arith.constant 0 : i32
          %scatter3A_430 = arith.constant 0 : i32
          %scatter3A_431 = arith.constant 0 : i32
          %scatter3A_432 = arith.constant 0 : i32
          %scatter3A_433 = tpu.memref_slice %arg8[%scatter3A_428, %scatter3A_429, %scatter3A_430, %scatter3A_431, %scatter3A_432] : memref<2x50x4x8x16xf32, #tpu.memory_space<vmem>> -> memref<1x50x4x8x16xf32, #tpu.memory_space<vmem>>
          %scatter3A_434 = tpu.memref_squeeze %scatter3A_433 : memref<1x50x4x8x16xf32, #tpu.memory_space<vmem>> -> memref<50x4x8x16xf32, #tpu.memory_space<vmem>>
          tpu.vector_store_idx %scatter3A_434[%add3A_196, %add3A_7, %rem3A_9, %broadcast_in_dim3A_406], %get3A_402 : memref<50x4x8x16xf32, #tpu.memory_space<vmem>>[vector<16xi32>, vector<16xi32>, vector<16xi32>, vector<16xi32>], vector<16xf32>,
          %mul3A_435 = arith.constant 16 : i32
          %mul3A_436 = arith.muli %scan3A_193, %mul3A_435 : i32
          %add3A_437 = arith.constant 8 : i32
          %add3A_438 = arith.addi %mul3A_436, %add3A_437 : i32
          %get3A_439 = arith.constant 0 : i32
          %get3A_440 = arith.index_cast %get3A_439 : i32 to index
          %get3A_441 = arith.index_cast %add3A_438 : i32 to index
          %get3A_442 = arith.constant 0 : index
          %get3A_443 = tpu.vector_load %arg7[%get3A_440, %get3A_441, %get3A_442] {strides = array<i32>} : memref<2x800x32xf32, #tpu.memory_space<vmem>>, vector<16xf32>,
          %get3A_444 = arith.constant 0 : i32
          %get3A_445 = arith.index_cast %get3A_444 : i32 to index
          %get3A_446 = arith.index_cast %add3A_438 : i32 to index
          %get3A_447 = arith.constant 16 : index
          %get3A_448 = tpu.vector_load %arg7[%get3A_445, %get3A_446, %get3A_447] {strides = array<i32>} : memref<2x800x32xf32, #tpu.memory_space<vmem>>, vector<16xf32>,
          %add3A_449 = arith.constant 1 : i32
          %add3A_450 = arith.addi %add3A_438, %add3A_449 : i32
          %get3A_451 = arith.constant 0 : i32
          %get3A_452 = arith.index_cast %get3A_451 : i32 to index
          %get3A_453 = arith.index_cast %add3A_450 : i32 to index
          %get3A_454 = arith.constant 0 : index
          %get3A_455 = tpu.vector_load %arg7[%get3A_452, %get3A_453, %get3A_454] {strides = array<i32>} : memref<2x800x32xf32, #tpu.memory_space<vmem>>, vector<16xf32>,
          %add3A_456 = arith.constant 1 : i32
          %add3A_457 = arith.addi %add3A_438, %add3A_456 : i32
          %get3A_458 = arith.constant 0 : i32
          %get3A_459 = arith.index_cast %get3A_458 : i32 to index
          %get3A_460 = arith.index_cast %add3A_457 : i32 to index
          %get3A_461 = arith.constant 16 : index
          %get3A_462 = tpu.vector_load %arg7[%get3A_459, %get3A_460, %get3A_461] {strides = array<i32>} : memref<2x800x32xf32, #tpu.memory_space<vmem>>, vector<16xf32>,
          %broadcast_in_dim3A_463 = arith.constant 8 : i32
          %broadcast_in_dim3A_464 = vector.broadcast %broadcast_in_dim3A_463 : i32 to vector<16xi32>
          %broadcast_in_dim3A_465 = arith.constant 9 : i32
          %broadcast_in_dim3A_466 = vector.broadcast %broadcast_in_dim3A_465 : i32 to vector<16xi32>
          %scatter3A_467 = arith.constant 0 : i32
          %scatter3A_468 = arith.constant 0 : i32
          %scatter3A_469 = arith.constant 0 : i32
          %scatter3A_470 = arith.constant 0 : i32
          %scatter3A_471 = arith.constant 0 : i32
          %scatter3A_472 = tpu.memref_slice %arg8[%scatter3A_467, %scatter3A_468, %scatter3A_469, %scatter3A_470, %scatter3A_471] : memref<2x50x4x8x16xf32, #tpu.memory_space<vmem>> -> memref<1x50x4x8x16xf32, #tpu.memory_space<vmem>>
          %scatter3A_473 = tpu.memref_squeeze %scatter3A_472 : memref<1x50x4x8x16xf32, #tpu.memory_space<vmem>> -> memref<50x4x8x16xf32, #tpu.memory_space<vmem>>
          tpu.vector_store_idx %scatter3A_473[%add3A_196, %div3A_4, %rem3A_9, %broadcast_in_dim3A_464], %get3A_443 : memref<50x4x8x16xf32, #tpu.memory_space<vmem>>[vector<16xi32>, vector<16xi32>, vector<16xi32>, vector<16xi32>], vector<16xf32>,
          %scatter3A_474 = arith.constant 0 : i32
          %scatter3A_475 = arith.constant 0 : i32
          %scatter3A_476 = arith.constant 0 : i32
          %scatter3A_477 = arith.constant 0 : i32
          %scatter3A_478 = arith.constant 0 : i32
          %scatter3A_479 = tpu.memref_slice %arg8[%scatter3A_474, %scatter3A_475, %scatter3A_476, %scatter3A_477, %scatter3A_478] : memref<2x50x4x8x16xf32, #tpu.memory_space<vmem>> -> memref<1x50x4x8x16xf32, #tpu.memory_space<vmem>>
          %scatter3A_480 = tpu.memref_squeeze %scatter3A_479 : memref<1x50x4x8x16xf32, #tpu.memory_space<vmem>> -> memref<50x4x8x16xf32, #tpu.memory_space<vmem>>
          tpu.vector_store_idx %scatter3A_480[%add3A_196, %add3A_7, %rem3A_9, %broadcast_in_dim3A_464], %get3A_448 : memref<50x4x8x16xf32, #tpu.memory_space<vmem>>[vector<16xi32>, vector<16xi32>, vector<16xi32>, vector<16xi32>], vector<16xf32>,
          %scatter3A_481 = arith.constant 0 : i32
          %scatter3A_482 = arith.constant 0 : i32
          %scatter3A_483 = arith.constant 0 : i32
          %scatter3A_484 = arith.constant 0 : i32
          %scatter3A_485 = arith.constant 0 : i32
          %scatter3A_486 = tpu.memref_slice %arg8[%scatter3A_481, %scatter3A_482, %scatter3A_483, %scatter3A_484, %scatter3A_485] : memref<2x50x4x8x16xf32, #tpu.memory_space<vmem>> -> memref<1x50x4x8x16xf32, #tpu.memory_space<vmem>>
          %scatter3A_487 = tpu.memref_squeeze %scatter3A_486 : memref<1x50x4x8x16xf32, #tpu.memory_space<vmem>> -> memref<50x4x8x16xf32, #tpu.memory_space<vmem>>
          tpu.vector_store_idx %scatter3A_487[%add3A_196, %div3A_4, %rem3A_9, %broadcast_in_dim3A_466], %get3A_455 : memref<50x4x8x16xf32, #tpu.memory_space<vmem>>[vector<16xi32>, vector<16xi32>, vector<16xi32>, vector<16xi32>], vector<16xf32>,
          %scatter3A_488 = arith.constant 0 : i32
          %scatter3A_489 = arith.constant 0 : i32
          %scatter3A_490 = arith.constant 0 : i32
          %scatter3A_491 = arith.constant 0 : i32
          %scatter3A_492 = arith.constant 0 : i32
          %scatter3A_493 = tpu.memref_slice %arg8[%scatter3A_488, %scatter3A_489, %scatter3A_490, %scatter3A_491, %scatter3A_492] : memref<2x50x4x8x16xf32, #tpu.memory_space<vmem>> -> memref<1x50x4x8x16xf32, #tpu.memory_space<vmem>>
          %scatter3A_494 = tpu.memref_squeeze %scatter3A_493 : memref<1x50x4x8x16xf32, #tpu.memory_space<vmem>> -> memref<50x4x8x16xf32, #tpu.memory_space<vmem>>
          tpu.vector_store_idx %scatter3A_494[%add3A_196, %add3A_7, %rem3A_9, %broadcast_in_dim3A_466], %get3A_462 : memref<50x4x8x16xf32, #tpu.memory_space<vmem>>[vector<16xi32>, vector<16xi32>, vector<16xi32>, vector<16xi32>], vector<16xf32>,
          %mul3A_495 = arith.constant 16 : i32
          %mul3A_496 = arith.muli %scan3A_193, %mul3A_495 : i32
          %add3A_497 = arith.constant 10 : i32
          %add3A_498 = arith.addi %mul3A_496, %add3A_497 : i32
          %get3A_499 = arith.constant 0 : i32
          %get3A_500 = arith.index_cast %get3A_499 : i32 to index
          %get3A_501 = arith.index_cast %add3A_498 : i32 to index
          %get3A_502 = arith.constant 0 : index
          %get3A_503 = tpu.vector_load %arg7[%get3A_500, %get3A_501, %get3A_502] {strides = array<i32>} : memref<2x800x32xf32, #tpu.memory_space<vmem>>, vector<16xf32>,
          %get3A_504 = arith.constant 0 : i32
          %get3A_505 = arith.index_cast %get3A_504 : i32 to index
          %get3A_506 = arith.index_cast %add3A_498 : i32 to index
          %get3A_507 = arith.constant 16 : index
          %get3A_508 = tpu.vector_load %arg7[%get3A_505, %get3A_506, %get3A_507] {strides = array<i32>} : memref<2x800x32xf32, #tpu.memory_space<vmem>>, vector<16xf32>,
          %add3A_509 = arith.constant 1 : i32
          %add3A_510 = arith.addi %add3A_498, %add3A_509 : i32
          %get3A_511 = arith.constant 0 : i32
          %get3A_512 = arith.index_cast %get3A_511 : i32 to index
          %get3A_513 = arith.index_cast %add3A_510 : i32 to index
          %get3A_514 = arith.constant 0 : index
          %get3A_515 = tpu.vector_load %arg7[%get3A_512, %get3A_513, %get3A_514] {strides = array<i32>} : memref<2x800x32xf32, #tpu.memory_space<vmem>>, vector<16xf32>,
          %add3A_516 = arith.constant 1 : i32
          %add3A_517 = arith.addi %add3A_498, %add3A_516 : i32
          %get3A_518 = arith.constant 0 : i32
          %get3A_519 = arith.index_cast %get3A_518 : i32 to index
          %get3A_520 = arith.index_cast %add3A_517 : i32 to index
          %get3A_521 = arith.constant 16 : index
          %get3A_522 = tpu.vector_load %arg7[%get3A_519, %get3A_520, %get3A_521] {strides = array<i32>} : memref<2x800x32xf32, #tpu.memory_space<vmem>>, vector<16xf32>,
          %broadcast_in_dim3A_523 = arith.constant 10 : i32
          %broadcast_in_dim3A_524 = vector.broadcast %broadcast_in_dim3A_523 : i32 to vector<16xi32>
          %broadcast_in_dim3A_525 = arith.constant 11 : i32
          %broadcast_in_dim3A_526 = vector.broadcast %broadcast_in_dim3A_525 : i32 to vector<16xi32>
          %scatter3A_527 = arith.constant 0 : i32
          %scatter3A_528 = arith.constant 0 : i32
          %scatter3A_529 = arith.constant 0 : i32
          %scatter3A_530 = arith.constant 0 : i32
          %scatter3A_531 = arith.constant 0 : i32
          %scatter3A_532 = tpu.memref_slice %arg8[%scatter3A_527, %scatter3A_528, %scatter3A_529, %scatter3A_530, %scatter3A_531] : memref<2x50x4x8x16xf32, #tpu.memory_space<vmem>> -> memref<1x50x4x8x16xf32, #tpu.memory_space<vmem>>
          %scatter3A_533 = tpu.memref_squeeze %scatter3A_532 : memref<1x50x4x8x16xf32, #tpu.memory_space<vmem>> -> memref<50x4x8x16xf32, #tpu.memory_space<vmem>>
          tpu.vector_store_idx %scatter3A_533[%add3A_196, %div3A_4, %rem3A_9, %broadcast_in_dim3A_524], %get3A_503 : memref<50x4x8x16xf32, #tpu.memory_space<vmem>>[vector<16xi32>, vector<16xi32>, vector<16xi32>, vector<16xi32>], vector<16xf32>,
          %scatter3A_534 = arith.constant 0 : i32
          %scatter3A_535 = arith.constant 0 : i32
          %scatter3A_536 = arith.constant 0 : i32
          %scatter3A_537 = arith.constant 0 : i32
          %scatter3A_538 = arith.constant 0 : i32
          %scatter3A_539 = tpu.memref_slice %arg8[%scatter3A_534, %scatter3A_535, %scatter3A_536, %scatter3A_537, %scatter3A_538] : memref<2x50x4x8x16xf32, #tpu.memory_space<vmem>> -> memref<1x50x4x8x16xf32, #tpu.memory_space<vmem>>
          %scatter3A_540 = tpu.memref_squeeze %scatter3A_539 : memref<1x50x4x8x16xf32, #tpu.memory_space<vmem>> -> memref<50x4x8x16xf32, #tpu.memory_space<vmem>>
          tpu.vector_store_idx %scatter3A_540[%add3A_196, %add3A_7, %rem3A_9, %broadcast_in_dim3A_524], %get3A_508 : memref<50x4x8x16xf32, #tpu.memory_space<vmem>>[vector<16xi32>, vector<16xi32>, vector<16xi32>, vector<16xi32>], vector<16xf32>,
          %scatter3A_541 = arith.constant 0 : i32
          %scatter3A_542 = arith.constant 0 : i32
          %scatter3A_543 = arith.constant 0 : i32
          %scatter3A_544 = arith.constant 0 : i32
          %scatter3A_545 = arith.constant 0 : i32
          %scatter3A_546 = tpu.memref_slice %arg8[%scatter3A_541, %scatter3A_542, %scatter3A_543, %scatter3A_544, %scatter3A_545] : memref<2x50x4x8x16xf32, #tpu.memory_space<vmem>> -> memref<1x50x4x8x16xf32, #tpu.memory_space<vmem>>
          %scatter3A_547 = tpu.memref_squeeze %scatter3A_546 : memref<1x50x4x8x16xf32, #tpu.memory_space<vmem>> -> memref<50x4x8x16xf32, #tpu.memory_space<vmem>>
          tpu.vector_store_idx %scatter3A_547[%add3A_196, %div3A_4, %rem3A_9, %broadcast_in_dim3A_526], %get3A_515 : memref<50x4x8x16xf32, #tpu.memory_space<vmem>>[vector<16xi32>, vector<16xi32>, vector<16xi32>, vector<16xi32>], vector<16xf32>,
          %scatter3A_548 = arith.constant 0 : i32
          %scatter3A_549 = arith.constant 0 : i32
          %scatter3A_550 = arith.constant 0 : i32
          %scatter3A_551 = arith.constant 0 : i32
          %scatter3A_552 = arith.constant 0 : i32
          %scatter3A_553 = tpu.memref_slice %arg8[%scatter3A_548, %scatter3A_549, %scatter3A_550, %scatter3A_551, %scatter3A_552] : memref<2x50x4x8x16xf32, #tpu.memory_space<vmem>> -> memref<1x50x4x8x16xf32, #tpu.memory_space<vmem>>
          %scatter3A_554 = tpu.memref_squeeze %scatter3A_553 : memref<1x50x4x8x16xf32, #tpu.memory_space<vmem>> -> memref<50x4x8x16xf32, #tpu.memory_space<vmem>>
          tpu.vector_store_idx %scatter3A_554[%add3A_196, %add3A_7, %rem3A_9, %broadcast_in_dim3A_526], %get3A_522 : memref<50x4x8x16xf32, #tpu.memory_space<vmem>>[vector<16xi32>, vector<16xi32>, vector<16xi32>, vector<16xi32>], vector<16xf32>,
          %mul3A_555 = arith.constant 16 : i32
          %mul3A_556 = arith.muli %scan3A_193, %mul3A_555 : i32
          %add3A_557 = arith.constant 12 : i32
          %add3A_558 = arith.addi %mul3A_556, %add3A_557 : i32
          %get3A_559 = arith.constant 0 : i32
          %get3A_560 = arith.index_cast %get3A_559 : i32 to index
          %get3A_561 = arith.index_cast %add3A_558 : i32 to index
          %get3A_562 = arith.constant 0 : index
          %get3A_563 = tpu.vector_load %arg7[%get3A_560, %get3A_561, %get3A_562] {strides = array<i32>} : memref<2x800x32xf32, #tpu.memory_space<vmem>>, vector<16xf32>,
          %get3A_564 = arith.constant 0 : i32
          %get3A_565 = arith.index_cast %get3A_564 : i32 to index
          %get3A_566 = arith.index_cast %add3A_558 : i32 to index
          %get3A_567 = arith.constant 16 : index
          %get3A_568 = tpu.vector_load %arg7[%get3A_565, %get3A_566, %get3A_567] {strides = array<i32>} : memref<2x800x32xf32, #tpu.memory_space<vmem>>, vector<16xf32>,
          %add3A_569 = arith.constant 1 : i32
          %add3A_570 = arith.addi %add3A_558, %add3A_569 : i32
          %get3A_571 = arith.constant 0 : i32
          %get3A_572 = arith.index_cast %get3A_571 : i32 to index
          %get3A_573 = arith.index_cast %add3A_570 : i32 to index
          %get3A_574 = arith.constant 0 : index
          %get3A_575 = tpu.vector_load %arg7[%get3A_572, %get3A_573, %get3A_574] {strides = array<i32>} : memref<2x800x32xf32, #tpu.memory_space<vmem>>, vector<16xf32>,
          %add3A_576 = arith.constant 1 : i32
          %add3A_577 = arith.addi %add3A_558, %add3A_576 : i32
          %get3A_578 = arith.constant 0 : i32
          %get3A_579 = arith.index_cast %get3A_578 : i32 to index
          %get3A_580 = arith.index_cast %add3A_577 : i32 to index
          %get3A_581 = arith.constant 16 : index
          %get3A_582 = tpu.vector_load %arg7[%get3A_579, %get3A_580, %get3A_581] {strides = array<i32>} : memref<2x800x32xf32, #tpu.memory_space<vmem>>, vector<16xf32>,
          %broadcast_in_dim3A_583 = arith.constant 12 : i32
          %broadcast_in_dim3A_584 = vector.broadcast %broadcast_in_dim3A_583 : i32 to vector<16xi32>
          %broadcast_in_dim3A_585 = arith.constant 13 : i32
          %broadcast_in_dim3A_586 = vector.broadcast %broadcast_in_dim3A_585 : i32 to vector<16xi32>
          %scatter3A_587 = arith.constant 0 : i32
          %scatter3A_588 = arith.constant 0 : i32
          %scatter3A_589 = arith.constant 0 : i32
          %scatter3A_590 = arith.constant 0 : i32
          %scatter3A_591 = arith.constant 0 : i32
          %scatter3A_592 = tpu.memref_slice %arg8[%scatter3A_587, %scatter3A_588, %scatter3A_589, %scatter3A_590, %scatter3A_591] : memref<2x50x4x8x16xf32, #tpu.memory_space<vmem>> -> memref<1x50x4x8x16xf32, #tpu.memory_space<vmem>>
          %scatter3A_593 = tpu.memref_squeeze %scatter3A_592 : memref<1x50x4x8x16xf32, #tpu.memory_space<vmem>> -> memref<50x4x8x16xf32, #tpu.memory_space<vmem>>
          tpu.vector_store_idx %scatter3A_593[%add3A_196, %div3A_4, %rem3A_9, %broadcast_in_dim3A_584], %get3A_563 : memref<50x4x8x16xf32, #tpu.memory_space<vmem>>[vector<16xi32>, vector<16xi32>, vector<16xi32>, vector<16xi32>], vector<16xf32>,
          %scatter3A_594 = arith.constant 0 : i32
          %scatter3A_595 = arith.constant 0 : i32
          %scatter3A_596 = arith.constant 0 : i32
          %scatter3A_597 = arith.constant 0 : i32
          %scatter3A_598 = arith.constant 0 : i32
          %scatter3A_599 = tpu.memref_slice %arg8[%scatter3A_594, %scatter3A_595, %scatter3A_596, %scatter3A_597, %scatter3A_598] : memref<2x50x4x8x16xf32, #tpu.memory_space<vmem>> -> memref<1x50x4x8x16xf32, #tpu.memory_space<vmem>>
          %scatter3A_600 = tpu.memref_squeeze %scatter3A_599 : memref<1x50x4x8x16xf32, #tpu.memory_space<vmem>> -> memref<50x4x8x16xf32, #tpu.memory_space<vmem>>
          tpu.vector_store_idx %scatter3A_600[%add3A_196, %add3A_7, %rem3A_9, %broadcast_in_dim3A_584], %get3A_568 : memref<50x4x8x16xf32, #tpu.memory_space<vmem>>[vector<16xi32>, vector<16xi32>, vector<16xi32>, vector<16xi32>], vector<16xf32>,
          %scatter3A_601 = arith.constant 0 : i32
          %scatter3A_602 = arith.constant 0 : i32
          %scatter3A_603 = arith.constant 0 : i32
          %scatter3A_604 = arith.constant 0 : i32
          %scatter3A_605 = arith.constant 0 : i32
          %scatter3A_606 = tpu.memref_slice %arg8[%scatter3A_601, %scatter3A_602, %scatter3A_603, %scatter3A_604, %scatter3A_605] : memref<2x50x4x8x16xf32, #tpu.memory_space<vmem>> -> memref<1x50x4x8x16xf32, #tpu.memory_space<vmem>>
          %scatter3A_607 = tpu.memref_squeeze %scatter3A_606 : memref<1x50x4x8x16xf32, #tpu.memory_space<vmem>> -> memref<50x4x8x16xf32, #tpu.memory_space<vmem>>
          tpu.vector_store_idx %scatter3A_607[%add3A_196, %div3A_4, %rem3A_9, %broadcast_in_dim3A_586], %get3A_575 : memref<50x4x8x16xf32, #tpu.memory_space<vmem>>[vector<16xi32>, vector<16xi32>, vector<16xi32>, vector<16xi32>], vector<16xf32>,
          %scatter3A_608 = arith.constant 0 : i32
          %scatter3A_609 = arith.constant 0 : i32
          %scatter3A_610 = arith.constant 0 : i32
          %scatter3A_611 = arith.constant 0 : i32
          %scatter3A_612 = arith.constant 0 : i32
          %scatter3A_613 = tpu.memref_slice %arg8[%scatter3A_608, %scatter3A_609, %scatter3A_610, %scatter3A_611, %scatter3A_612] : memref<2x50x4x8x16xf32, #tpu.memory_space<vmem>> -> memref<1x50x4x8x16xf32, #tpu.memory_space<vmem>>
          %scatter3A_614 = tpu.memref_squeeze %scatter3A_613 : memref<1x50x4x8x16xf32, #tpu.memory_space<vmem>> -> memref<50x4x8x16xf32, #tpu.memory_space<vmem>>
          tpu.vector_store_idx %scatter3A_614[%add3A_196, %add3A_7, %rem3A_9, %broadcast_in_dim3A_586], %get3A_582 : memref<50x4x8x16xf32, #tpu.memory_space<vmem>>[vector<16xi32>, vector<16xi32>, vector<16xi32>, vector<16xi32>], vector<16xf32>,
          %mul3A_615 = arith.constant 16 : i32
          %mul3A_616 = arith.muli %scan3A_193, %mul3A_615 : i32
          %add3A_617 = arith.constant 14 : i32
          %add3A_618 = arith.addi %mul3A_616, %add3A_617 : i32
          %get3A_619 = arith.constant 0 : i32
          %get3A_620 = arith.index_cast %get3A_619 : i32 to index
          %get3A_621 = arith.index_cast %add3A_618 : i32 to index
          %get3A_622 = arith.constant 0 : index
          %get3A_623 = tpu.vector_load %arg7[%get3A_620, %get3A_621, %get3A_622] {strides = array<i32>} : memref<2x800x32xf32, #tpu.memory_space<vmem>>, vector<16xf32>,
          %get3A_624 = arith.constant 0 : i32
          %get3A_625 = arith.index_cast %get3A_624 : i32 to index
          %get3A_626 = arith.index_cast %add3A_618 : i32 to index
          %get3A_627 = arith.constant 16 : index
          %get3A_628 = tpu.vector_load %arg7[%get3A_625, %get3A_626, %get3A_627] {strides = array<i32>} : memref<2x800x32xf32, #tpu.memory_space<vmem>>, vector<16xf32>,
          %add3A_629 = arith.constant 1 : i32
          %add3A_630 = arith.addi %add3A_618, %add3A_629 : i32
          %get3A_631 = arith.constant 0 : i32
          %get3A_632 = arith.index_cast %get3A_631 : i32 to index
          %get3A_633 = arith.index_cast %add3A_630 : i32 to index
          %get3A_634 = arith.constant 0 : index
          %get3A_635 = tpu.vector_load %arg7[%get3A_632, %get3A_633, %get3A_634] {strides = array<i32>} : memref<2x800x32xf32, #tpu.memory_space<vmem>>, vector<16xf32>,
          %add3A_636 = arith.constant 1 : i32
          %add3A_637 = arith.addi %add3A_618, %add3A_636 : i32
          %get3A_638 = arith.constant 0 : i32
          %get3A_639 = arith.index_cast %get3A_638 : i32 to index
          %get3A_640 = arith.index_cast %add3A_637 : i32 to index
          %get3A_641 = arith.constant 16 : index
          %get3A_642 = tpu.vector_load %arg7[%get3A_639, %get3A_640, %get3A_641] {strides = array<i32>} : memref<2x800x32xf32, #tpu.memory_space<vmem>>, vector<16xf32>,
          %broadcast_in_dim3A_643 = arith.constant 14 : i32
          %broadcast_in_dim3A_644 = vector.broadcast %broadcast_in_dim3A_643 : i32 to vector<16xi32>
          %broadcast_in_dim3A_645 = arith.constant 15 : i32
          %broadcast_in_dim3A_646 = vector.broadcast %broadcast_in_dim3A_645 : i32 to vector<16xi32>
          %scatter3A_647 = arith.constant 0 : i32
          %scatter3A_648 = arith.constant 0 : i32
          %scatter3A_649 = arith.constant 0 : i32
          %scatter3A_650 = arith.constant 0 : i32
          %scatter3A_651 = arith.constant 0 : i32
          %scatter3A_652 = tpu.memref_slice %arg8[%scatter3A_647, %scatter3A_648, %scatter3A_649, %scatter3A_650, %scatter3A_651] : memref<2x50x4x8x16xf32, #tpu.memory_space<vmem>> -> memref<1x50x4x8x16xf32, #tpu.memory_space<vmem>>
          %scatter3A_653 = tpu.memref_squeeze %scatter3A_652 : memref<1x50x4x8x16xf32, #tpu.memory_space<vmem>> -> memref<50x4x8x16xf32, #tpu.memory_space<vmem>>
          tpu.vector_store_idx %scatter3A_653[%add3A_196, %div3A_4, %rem3A_9, %broadcast_in_dim3A_644], %get3A_623 : memref<50x4x8x16xf32, #tpu.memory_space<vmem>>[vector<16xi32>, vector<16xi32>, vector<16xi32>, vector<16xi32>], vector<16xf32>,
          %scatter3A_654 = arith.constant 0 : i32
          %scatter3A_655 = arith.constant 0 : i32
          %scatter3A_656 = arith.constant 0 : i32
          %scatter3A_657 = arith.constant 0 : i32
          %scatter3A_658 = arith.constant 0 : i32
          %scatter3A_659 = tpu.memref_slice %arg8[%scatter3A_654, %scatter3A_655, %scatter3A_656, %scatter3A_657, %scatter3A_658] : memref<2x50x4x8x16xf32, #tpu.memory_space<vmem>> -> memref<1x50x4x8x16xf32, #tpu.memory_space<vmem>>
          %scatter3A_660 = tpu.memref_squeeze %scatter3A_659 : memref<1x50x4x8x16xf32, #tpu.memory_space<vmem>> -> memref<50x4x8x16xf32, #tpu.memory_space<vmem>>
          tpu.vector_store_idx %scatter3A_660[%add3A_196, %add3A_7, %rem3A_9, %broadcast_in_dim3A_644], %get3A_628 : memref<50x4x8x16xf32, #tpu.memory_space<vmem>>[vector<16xi32>, vector<16xi32>, vector<16xi32>, vector<16xi32>], vector<16xf32>,
          %scatter3A_661 = arith.constant 0 : i32
          %scatter3A_662 = arith.constant 0 : i32
          %scatter3A_663 = arith.constant 0 : i32
          %scatter3A_664 = arith.constant 0 : i32
          %scatter3A_665 = arith.constant 0 : i32
          %scatter3A_666 = tpu.memref_slice %arg8[%scatter3A_661, %scatter3A_662, %scatter3A_663, %scatter3A_664, %scatter3A_665] : memref<2x50x4x8x16xf32, #tpu.memory_space<vmem>> -> memref<1x50x4x8x16xf32, #tpu.memory_space<vmem>>
          %scatter3A_667 = tpu.memref_squeeze %scatter3A_666 : memref<1x50x4x8x16xf32, #tpu.memory_space<vmem>> -> memref<50x4x8x16xf32, #tpu.memory_space<vmem>>
          tpu.vector_store_idx %scatter3A_667[%add3A_196, %div3A_4, %rem3A_9, %broadcast_in_dim3A_646], %get3A_635 : memref<50x4x8x16xf32, #tpu.memory_space<vmem>>[vector<16xi32>, vector<16xi32>, vector<16xi32>, vector<16xi32>], vector<16xf32>,
          %scatter3A_668 = arith.constant 0 : i32
          %scatter3A_669 = arith.constant 0 : i32
          %scatter3A_670 = arith.constant 0 : i32
          %scatter3A_671 = arith.constant 0 : i32
          %scatter3A_672 = arith.constant 0 : i32
          %scatter3A_673 = tpu.memref_slice %arg8[%scatter3A_668, %scatter3A_669, %scatter3A_670, %scatter3A_671, %scatter3A_672] : memref<2x50x4x8x16xf32, #tpu.memory_space<vmem>> -> memref<1x50x4x8x16xf32, #tpu.memory_space<vmem>>
          %scatter3A_674 = tpu.memref_squeeze %scatter3A_673 : memref<1x50x4x8x16xf32, #tpu.memory_space<vmem>> -> memref<50x4x8x16xf32, #tpu.memory_space<vmem>>
          tpu.vector_store_idx %scatter3A_674[%add3A_196, %add3A_7, %rem3A_9, %broadcast_in_dim3A_646], %get3A_642 : memref<50x4x8x16xf32, #tpu.memory_space<vmem>>[vector<16xi32>, vector<16xi32>, vector<16xi32>, vector<16xi32>], vector<16xf32>,
        }
        %scan3A_158 = arith.constant 50 : i32
        %rem3A_159 = arith.constant 2 : i32
        %rem3A_160 = arith.remsi %scan3A_116, %rem3A_159 : i32
        %mul3A_161 = arith.constant 50 : i32
        %mul3A_162 = arith.muli %rem3A_160, %mul3A_161 : i32
        %div3A_163 = arith.constant 2 : i32
        %div3A_164 = arith.divsi %scan3A_116, %div3A_163 : i32
        %mul3A_165 = arith.constant 16 : i32
        %mul3A_166 = arith.muli %div3A_164, %mul3A_165 : i32
        %add3A_167 = arith.addi %mul3A_2, %mul3A_166 : i32
        %div3A_168 = arith.constant 128 : i32
        %div3A_169 = arith.divsi %add3A_167, %div3A_168 : i32
        %rem3A_170 = arith.constant 128 : i32
        %rem3A_171 = arith.remsi %add3A_167, %rem3A_170 : i32
        %dma_start3A_172 = arith.constant 0 : i32
        %dma_start3A_173 = arith.constant 0 : i32
        %dma_start3A_174 = arith.constant 0 : i32
        %dma_start3A_175 = arith.constant 0 : i32
        %dma_start3A_176 = arith.constant 0 : i32
        %dma_start3A_177 = tpu.memref_slice %arg8[%dma_start3A_172, %dma_start3A_173, %dma_start3A_174, %dma_start3A_175, %dma_start3A_176] : memref<2x50x4x8x16xf32, #tpu.memory_space<vmem>> -> memref<1x50x4x8x16xf32, #tpu.memory_space<vmem>>
        %dma_start3A_178 = tpu.memref_squeeze %dma_start3A_177 : memref<1x50x4x8x16xf32, #tpu.memory_space<vmem>> -> memref<50x4x8x16xf32, #tpu.memory_space<vmem>>
        %dma_start3A_179 = arith.constant 0 : i32
        %dma_start3A_180 = arith.constant 0 : i32
        %dma_start3A_181 = tpu.memref_slice %arg4[%mul3A_162, %dma_start3A_179, %div3A_169, %dma_start3A_180, %rem3A_171] : memref<100x4x128x8x128xf32, #tpu.memory_space<hbm>> -> memref<50x4x1x8x16xf32, #tpu.memory_space<hbm>>
        %dma_start3A_182 = tpu.memref_squeeze %dma_start3A_181 : memref<50x4x1x8x16xf32, #tpu.memory_space<hbm>> -> memref<50x4x8x16xf32, #tpu.memory_space<hbm>>
        %dma_start3A_183 = arith.constant 0 : i32
        %dma_start3A_184 = arith.constant 0 : i32
        %dma_start3A_185 = tpu.memref_slice %arg4[%mul3A_162, %dma_start3A_183, %div3A_169, %dma_start3A_184, %rem3A_171] : memref<100x4x128x8x128xf32, #tpu.memory_space<hbm>> -> memref<50x4x1x8x16xf32, #tpu.memory_space<hbm>>
        %dma_start3A_186 = tpu.memref_squeeze %dma_start3A_185 : memref<50x4x1x8x16xf32, #tpu.memory_space<hbm>> -> memref<50x4x8x16xf32, #tpu.memory_space<hbm>>
        %dma_start3A_187 = arith.constant 0 : i32
        %dma_start3A_188 = arith.constant 0 : i32
        %dma_start3A_189 = arith.constant 0 : i32
        %dma_start3A_190 = arith.constant 0 : i32
        %dma_start3A_191 = tpu.memref_slice %arg8[%dma_start3A_172, %dma_start3A_187, %dma_start3A_188, %dma_start3A_189, %dma_start3A_190] : memref<2x50x4x8x16xf32, #tpu.memory_space<vmem>> -> memref<1x50x4x8x16xf32, #tpu.memory_space<vmem>>
        %dma_start3A_192 = tpu.memref_squeeze %dma_start3A_191 : memref<1x50x4x8x16xf32, #tpu.memory_space<vmem>> -> memref<50x4x8x16xf32, #tpu.memory_space<vmem>>
        tpu.enqueue_dma source(%dma_start3A_192 : memref<50x4x8x16xf32, #tpu.memory_space<vmem>>) target(%dma_start3A_186 : memref<50x4x8x16xf32, #tpu.memory_space<hbm>>) target_semaphore(%arg11 : memref<!tpu.dma_semaphore, #tpu.memory_space<semaphore_mem>>)
      } else {
      }
      %eq3A_129 = arith.constant 1 : i32
      %eq3A_130 = arith.cmpi eq, %rem3A_118, %eq3A_129 : i32
      %convert_element_type3A_131 = arith.extui %eq3A_130 : i1 to i32
      %cond3A_132 = arith.constant 0 : i32
      %cond3A_133 = arith.cmpi ne, %convert_element_type3A_131, %cond3A_132 : i32
      scf.if %cond3A_133 {
        %dma_wait3A_134 = arith.constant 1 : i32
        %dma_wait3A_135 = arith.constant 0 : i32
        %dma_wait3A_136 = arith.constant 0 : i32
        %dma_wait3A_137 = tpu.memref_slice %arg7[%dma_wait3A_134, %dma_wait3A_135, %dma_wait3A_136] : memref<2x800x32xf32, #tpu.memory_space<vmem>> -> memref<1x800x32xf32, #tpu.memory_space<vmem>>
        %dma_wait3A_138 = tpu.memref_squeeze %dma_wait3A_137 : memref<1x800x32xf32, #tpu.memory_space<vmem>> -> memref<800x32xf32, #tpu.memory_space<vmem>>
        %dma_wait3A_139 = arith.constant 0 : i32
        %dma_wait3A_140 = arith.constant 0 : i32
        %dma_wait3A_141 = tpu.memref_slice %arg3[%dma_wait3A_139, %dma_wait3A_140] : memref<1000000x32xf32, #tpu.memory_space<hbm>> -> memref<800x32xf32, #tpu.memory_space<hbm>>
        %dma_wait3A_142 = arith.constant 0 : i32
        %dma_wait3A_143 = arith.constant 0 : i32
        %dma_wait3A_144 = tpu.memref_slice %arg7[%dma_wait3A_134, %dma_wait3A_142, %dma_wait3A_143] : memref<2x800x32xf32, #tpu.memory_space<vmem>> -> memref<1x800x32xf32, #tpu.memory_space<vmem>>
        %dma_wait3A_145 = tpu.memref_squeeze %dma_wait3A_144 : memref<1x800x32xf32, #tpu.memory_space<vmem>> -> memref<800x32xf32, #tpu.memory_space<vmem>>
        %dma_wait3A_146 = arith.constant 0 : i32
        %dma_wait3A_147 = arith.constant 0 : i32
        %dma_wait3A_148 = tpu.memref_slice %arg3[%dma_wait3A_146, %dma_wait3A_147] : memref<1000000x32xf32, #tpu.memory_space<hbm>> -> memref<800x32xf32, #tpu.memory_space<hbm>>
        tpu.wait_dma2 semaphore(%arg10 : memref<!tpu.dma_semaphore, #tpu.memory_space<semaphore_mem>>) src(%dma_wait3A_148 : memref<800x32xf32, #tpu.memory_space<hbm>>) dst(%dma_wait3A_145 : memref<800x32xf32, #tpu.memory_space<vmem>>)
        %ge3A = arith.constant 2 : i32
        %ge3A_149 = arith.cmpi sge, %scan3A_116, %ge3A : i32
        %convert_element_type3A_150 = arith.extui %ge3A_149 : i1 to i32
        %cond3A_151 = arith.constant 0 : i32
        %cond3A_152 = arith.cmpi ne, %convert_element_type3A_150, %cond3A_151 : i32
        scf.if %cond3A_152 {
          %jit3A_193 = arith.constant 128 : i32
          %eq3A_194 = arith.constant 0 : i32
          %eq3A_195 = arith.cmpi eq, %jit3A_193, %eq3A_194 : i32
          %jit3A_196 = arith.constant 1 : i32
          %select_n3A_197 = arith.select %eq3A_195, %jit3A_196, %jit3A_193 : i32
          %rem3A_198 = arith.remsi %mul3A_2, %select_n3A_197 : i32
          %ne3A_199 = arith.constant 0 : i32
          %ne3A_200 = arith.cmpi ne, %rem3A_198, %ne3A_199 : i32
          %lt3A_201 = arith.constant 0 : i32
          %lt3A_202 = arith.cmpi slt, %rem3A_198, %lt3A_201 : i32
          %lt3A_203 = arith.constant 0 : i32
          %lt3A_204 = arith.cmpi slt, %select_n3A_197, %lt3A_203 : i32
          %ne3A_205 = arith.xori %lt3A_202, %lt3A_204 : i1
          %and3A_206 = arith.andi %ne3A_205, %ne3A_200 : i1
          %add3A_207 = arith.addi %rem3A_198, %select_n3A_197 : i32
          %select_n3A_208 = arith.select %and3A_206, %add3A_207, %rem3A_198 : i32
          %dma_wait3A_209 = arith.constant 1 : i32
          %dma_wait3A_210 = arith.constant 0 : i32
          %dma_wait3A_211 = arith.constant 0 : i32
          %dma_wait3A_212 = arith.constant 0 : i32
          %dma_wait3A_213 = arith.constant 0 : i32
          %dma_wait3A_214 = arith.constant 0 : i32
          %dma_wait3A_215 = tpu.memref_slice %arg8[%dma_wait3A_209, %dma_wait3A_211, %dma_wait3A_212, %dma_wait3A_213, %dma_wait3A_214] : memref<2x50x4x8x16xf32, #tpu.memory_space<vmem>> -> memref<1x50x4x8x16xf32, #tpu.memory_space<vmem>>
          %dma_wait3A_216 = tpu.memref_squeeze %dma_wait3A_215 : memref<1x50x4x8x16xf32, #tpu.memory_space<vmem>> -> memref<50x4x8x16xf32, #tpu.memory_space<vmem>>
          %dma_wait3A_217 = arith.constant 0 : i32
          %dma_wait3A_218 = arith.constant 0 : i32
          %dma_wait3A_219 = arith.constant 0 : i32
          %dma_wait3A_220 = tpu.memref_slice %arg4[%dma_wait3A_217, %dma_wait3A_218, %dma_wait3A_210, %dma_wait3A_219, %select_n3A_208] : memref<100x4x128x8x128xf32, #tpu.memory_space<hbm>> -> memref<50x4x1x8x16xf32, #tpu.memory_space<hbm>>
          %dma_wait3A_221 = tpu.memref_squeeze %dma_wait3A_220 : memref<50x4x1x8x16xf32, #tpu.memory_space<hbm>> -> memref<50x4x8x16xf32, #tpu.memory_space<hbm>>
          %dma_wait3A_222 = arith.constant 0 : i32
          %dma_wait3A_223 = arith.constant 0 : i32
          %dma_wait3A_224 = arith.constant 0 : i32
          %dma_wait3A_225 = tpu.memref_slice %arg4[%dma_wait3A_222, %dma_wait3A_223, %dma_wait3A_210, %dma_wait3A_224, %select_n3A_208] : memref<100x4x128x8x128xf32, #tpu.memory_space<hbm>> -> memref<50x4x1x8x16xf32, #tpu.memory_space<hbm>>
          %dma_wait3A_226 = tpu.memref_squeeze %dma_wait3A_225 : memref<50x4x1x8x16xf32, #tpu.memory_space<hbm>> -> memref<50x4x8x16xf32, #tpu.memory_space<hbm>>
          %dma_wait3A_227 = arith.constant 0 : i32
          %dma_wait3A_228 = arith.constant 0 : i32
          %dma_wait3A_229 = arith.constant 0 : i32
          %dma_wait3A_230 = arith.constant 0 : i32
          %dma_wait3A_231 = tpu.memref_slice %arg8[%dma_wait3A_209, %dma_wait3A_227, %dma_wait3A_228, %dma_wait3A_229, %dma_wait3A_230] : memref<2x50x4x8x16xf32, #tpu.memory_space<vmem>> -> memref<1x50x4x8x16xf32, #tpu.memory_space<vmem>>
          %dma_wait3A_232 = tpu.memref_squeeze %dma_wait3A_231 : memref<1x50x4x8x16xf32, #tpu.memory_space<vmem>> -> memref<50x4x8x16xf32, #tpu.memory_space<vmem>>
          tpu.wait_dma2 semaphore(%arg12 : memref<!tpu.dma_semaphore, #tpu.memory_space<semaphore_mem>>) src(%dma_wait3A_232 : memref<50x4x8x16xf32, #tpu.memory_space<vmem>>) dst(%dma_wait3A_226 : memref<50x4x8x16xf32, #tpu.memory_space<hbm>>)
        } else {
        }
        %scan3A_153 = arith.constant 0 : i32
        %scan3A_154 = arith.constant 0 : i32
        %scan3A_155 = arith.constant 50 : i32
        %scan3A_156 = arith.addi %scan3A_154, %scan3A_155 : i32
        %scan3A_157 = arith.constant 1 : i32
        scf.for %scan3A_193 = %scan3A_154 to %scan3A_156 step %scan3A_157  : i32 {
          %broadcast_in_dim3A = arith.constant 0 : i32
          %broadcast_in_dim3A_194 = vector.broadcast %broadcast_in_dim3A : i32 to vector<16xi32>
          %add3A_195 = vector.broadcast %scan3A_193 : i32 to vector<16xi32>
          %add3A_196 = arith.addi %broadcast_in_dim3A_194, %add3A_195 : vector<16xi32>
          %mul3A_197 = arith.constant 16 : i32
          %mul3A_198 = arith.muli %scan3A_193, %mul3A_197 : i32
          %add3A_199 = arith.constant 0 : i32
          %add3A_200 = arith.addi %mul3A_198, %add3A_199 : i32
          %get3A = arith.constant 1 : i32
          %get3A_201 = arith.index_cast %get3A : i32 to index
          %get3A_202 = arith.index_cast %add3A_200 : i32 to index
          %get3A_203 = arith.constant 0 : index
          %get3A_204 = tpu.vector_load %arg7[%get3A_201, %get3A_202, %get3A_203] {strides = array<i32>} : memref<2x800x32xf32, #tpu.memory_space<vmem>>, vector<16xf32>,
          %get3A_205 = arith.constant 1 : i32
          %get3A_206 = arith.index_cast %get3A_205 : i32 to index
          %get3A_207 = arith.index_cast %add3A_200 : i32 to index
          %get3A_208 = arith.constant 16 : index
          %get3A_209 = tpu.vector_load %arg7[%get3A_206, %get3A_207, %get3A_208] {strides = array<i32>} : memref<2x800x32xf32, #tpu.memory_space<vmem>>, vector<16xf32>,
          %add3A_210 = arith.constant 1 : i32
          %add3A_211 = arith.addi %add3A_200, %add3A_210 : i32
          %get3A_212 = arith.constant 1 : i32
          %get3A_213 = arith.index_cast %get3A_212 : i32 to index
          %get3A_214 = arith.index_cast %add3A_211 : i32 to index
          %get3A_215 = arith.constant 0 : index
          %get3A_216 = tpu.vector_load %arg7[%get3A_213, %get3A_214, %get3A_215] {strides = array<i32>} : memref<2x800x32xf32, #tpu.memory_space<vmem>>, vector<16xf32>,
          %add3A_217 = arith.constant 1 : i32
          %add3A_218 = arith.addi %add3A_200, %add3A_217 : i32
          %get3A_219 = arith.constant 1 : i32
          %get3A_220 = arith.index_cast %get3A_219 : i32 to index
          %get3A_221 = arith.index_cast %add3A_218 : i32 to index
          %get3A_222 = arith.constant 16 : index
          %get3A_223 = tpu.vector_load %arg7[%get3A_220, %get3A_221, %get3A_222] {strides = array<i32>} : memref<2x800x32xf32, #tpu.memory_space<vmem>>, vector<16xf32>,
          %broadcast_in_dim3A_224 = arith.constant 0 : i32
          %broadcast_in_dim3A_225 = vector.broadcast %broadcast_in_dim3A_224 : i32 to vector<16xi32>
          %broadcast_in_dim3A_226 = arith.constant 1 : i32
          %broadcast_in_dim3A_227 = vector.broadcast %broadcast_in_dim3A_226 : i32 to vector<16xi32>
          %scatter3A = arith.constant 1 : i32
          %scatter3A_228 = arith.constant 0 : i32
          %scatter3A_229 = arith.constant 0 : i32
          %scatter3A_230 = arith.constant 0 : i32
          %scatter3A_231 = arith.constant 0 : i32
          %scatter3A_232 = tpu.memref_slice %arg8[%scatter3A, %scatter3A_228, %scatter3A_229, %scatter3A_230, %scatter3A_231] : memref<2x50x4x8x16xf32, #tpu.memory_space<vmem>> -> memref<1x50x4x8x16xf32, #tpu.memory_space<vmem>>
          %scatter3A_233 = tpu.memref_squeeze %scatter3A_232 : memref<1x50x4x8x16xf32, #tpu.memory_space<vmem>> -> memref<50x4x8x16xf32, #tpu.memory_space<vmem>>
          tpu.vector_store_idx %scatter3A_233[%add3A_196, %div3A_4, %rem3A_9, %broadcast_in_dim3A_225], %get3A_204 : memref<50x4x8x16xf32, #tpu.memory_space<vmem>>[vector<16xi32>, vector<16xi32>, vector<16xi32>, vector<16xi32>], vector<16xf32>,
          %scatter3A_234 = arith.constant 1 : i32
          %scatter3A_235 = arith.constant 0 : i32
          %scatter3A_236 = arith.constant 0 : i32
          %scatter3A_237 = arith.constant 0 : i32
          %scatter3A_238 = arith.constant 0 : i32
          %scatter3A_239 = tpu.memref_slice %arg8[%scatter3A_234, %scatter3A_235, %scatter3A_236, %scatter3A_237, %scatter3A_238] : memref<2x50x4x8x16xf32, #tpu.memory_space<vmem>> -> memref<1x50x4x8x16xf32, #tpu.memory_space<vmem>>
          %scatter3A_240 = tpu.memref_squeeze %scatter3A_239 : memref<1x50x4x8x16xf32, #tpu.memory_space<vmem>> -> memref<50x4x8x16xf32, #tpu.memory_space<vmem>>
          tpu.vector_store_idx %scatter3A_240[%add3A_196, %add3A_7, %rem3A_9, %broadcast_in_dim3A_225], %get3A_209 : memref<50x4x8x16xf32, #tpu.memory_space<vmem>>[vector<16xi32>, vector<16xi32>, vector<16xi32>, vector<16xi32>], vector<16xf32>,
          %scatter3A_241 = arith.constant 1 : i32
          %scatter3A_242 = arith.constant 0 : i32
          %scatter3A_243 = arith.constant 0 : i32
          %scatter3A_244 = arith.constant 0 : i32
          %scatter3A_245 = arith.constant 0 : i32
          %scatter3A_246 = tpu.memref_slice %arg8[%scatter3A_241, %scatter3A_242, %scatter3A_243, %scatter3A_244, %scatter3A_245] : memref<2x50x4x8x16xf32, #tpu.memory_space<vmem>> -> memref<1x50x4x8x16xf32, #tpu.memory_space<vmem>>
          %scatter3A_247 = tpu.memref_squeeze %scatter3A_246 : memref<1x50x4x8x16xf32, #tpu.memory_space<vmem>> -> memref<50x4x8x16xf32, #tpu.memory_space<vmem>>
          tpu.vector_store_idx %scatter3A_247[%add3A_196, %div3A_4, %rem3A_9, %broadcast_in_dim3A_227], %get3A_216 : memref<50x4x8x16xf32, #tpu.memory_space<vmem>>[vector<16xi32>, vector<16xi32>, vector<16xi32>, vector<16xi32>], vector<16xf32>,
          %scatter3A_248 = arith.constant 1 : i32
          %scatter3A_249 = arith.constant 0 : i32
          %scatter3A_250 = arith.constant 0 : i32
          %scatter3A_251 = arith.constant 0 : i32
          %scatter3A_252 = arith.constant 0 : i32
          %scatter3A_253 = tpu.memref_slice %arg8[%scatter3A_248, %scatter3A_249, %scatter3A_250, %scatter3A_251, %scatter3A_252] : memref<2x50x4x8x16xf32, #tpu.memory_space<vmem>> -> memref<1x50x4x8x16xf32, #tpu.memory_space<vmem>>
          %scatter3A_254 = tpu.memref_squeeze %scatter3A_253 : memref<1x50x4x8x16xf32, #tpu.memory_space<vmem>> -> memref<50x4x8x16xf32, #tpu.memory_space<vmem>>
          tpu.vector_store_idx %scatter3A_254[%add3A_196, %add3A_7, %rem3A_9, %broadcast_in_dim3A_227], %get3A_223 : memref<50x4x8x16xf32, #tpu.memory_space<vmem>>[vector<16xi32>, vector<16xi32>, vector<16xi32>, vector<16xi32>], vector<16xf32>,
          %mul3A_255 = arith.constant 16 : i32
          %mul3A_256 = arith.muli %scan3A_193, %mul3A_255 : i32
          %add3A_257 = arith.constant 2 : i32
          %add3A_258 = arith.addi %mul3A_256, %add3A_257 : i32
          %get3A_259 = arith.constant 1 : i32
          %get3A_260 = arith.index_cast %get3A_259 : i32 to index
          %get3A_261 = arith.index_cast %add3A_258 : i32 to index
          %get3A_262 = arith.constant 0 : index
          %get3A_263 = tpu.vector_load %arg7[%get3A_260, %get3A_261, %get3A_262] {strides = array<i32>} : memref<2x800x32xf32, #tpu.memory_space<vmem>>, vector<16xf32>,
          %get3A_264 = arith.constant 1 : i32
          %get3A_265 = arith.index_cast %get3A_264 : i32 to index
          %get3A_266 = arith.index_cast %add3A_258 : i32 to index
          %get3A_267 = arith.constant 16 : index
          %get3A_268 = tpu.vector_load %arg7[%get3A_265, %get3A_266, %get3A_267] {strides = array<i32>} : memref<2x800x32xf32, #tpu.memory_space<vmem>>, vector<16xf32>,
          %add3A_269 = arith.constant 1 : i32
          %add3A_270 = arith.addi %add3A_258, %add3A_269 : i32
          %get3A_271 = arith.constant 1 : i32
          %get3A_272 = arith.index_cast %get3A_271 : i32 to index
          %get3A_273 = arith.index_cast %add3A_270 : i32 to index
          %get3A_274 = arith.constant 0 : index
          %get3A_275 = tpu.vector_load %arg7[%get3A_272, %get3A_273, %get3A_274] {strides = array<i32>} : memref<2x800x32xf32, #tpu.memory_space<vmem>>, vector<16xf32>,
          %add3A_276 = arith.constant 1 : i32
          %add3A_277 = arith.addi %add3A_258, %add3A_276 : i32
          %get3A_278 = arith.constant 1 : i32
          %get3A_279 = arith.index_cast %get3A_278 : i32 to index
          %get3A_280 = arith.index_cast %add3A_277 : i32 to index
          %get3A_281 = arith.constant 16 : index
          %get3A_282 = tpu.vector_load %arg7[%get3A_279, %get3A_280, %get3A_281] {strides = array<i32>} : memref<2x800x32xf32, #tpu.memory_space<vmem>>, vector<16xf32>,
          %broadcast_in_dim3A_283 = arith.constant 2 : i32
          %broadcast_in_dim3A_284 = vector.broadcast %broadcast_in_dim3A_283 : i32 to vector<16xi32>
          %broadcast_in_dim3A_285 = arith.constant 3 : i32
          %broadcast_in_dim3A_286 = vector.broadcast %broadcast_in_dim3A_285 : i32 to vector<16xi32>
          %scatter3A_287 = arith.constant 1 : i32
          %scatter3A_288 = arith.constant 0 : i32
          %scatter3A_289 = arith.constant 0 : i32
          %scatter3A_290 = arith.constant 0 : i32
          %scatter3A_291 = arith.constant 0 : i32
          %scatter3A_292 = tpu.memref_slice %arg8[%scatter3A_287, %scatter3A_288, %scatter3A_289, %scatter3A_290, %scatter3A_291] : memref<2x50x4x8x16xf32, #tpu.memory_space<vmem>> -> memref<1x50x4x8x16xf32, #tpu.memory_space<vmem>>
          %scatter3A_293 = tpu.memref_squeeze %scatter3A_292 : memref<1x50x4x8x16xf32, #tpu.memory_space<vmem>> -> memref<50x4x8x16xf32, #tpu.memory_space<vmem>>
          tpu.vector_store_idx %scatter3A_293[%add3A_196, %div3A_4, %rem3A_9, %broadcast_in_dim3A_284], %get3A_263 : memref<50x4x8x16xf32, #tpu.memory_space<vmem>>[vector<16xi32>, vector<16xi32>, vector<16xi32>, vector<16xi32>], vector<16xf32>,
          %scatter3A_294 = arith.constant 1 : i32
          %scatter3A_295 = arith.constant 0 : i32
          %scatter3A_296 = arith.constant 0 : i32
          %scatter3A_297 = arith.constant 0 : i32
          %scatter3A_298 = arith.constant 0 : i32
          %scatter3A_299 = tpu.memref_slice %arg8[%scatter3A_294, %scatter3A_295, %scatter3A_296, %scatter3A_297, %scatter3A_298] : memref<2x50x4x8x16xf32, #tpu.memory_space<vmem>> -> memref<1x50x4x8x16xf32, #tpu.memory_space<vmem>>
          %scatter3A_300 = tpu.memref_squeeze %scatter3A_299 : memref<1x50x4x8x16xf32, #tpu.memory_space<vmem>> -> memref<50x4x8x16xf32, #tpu.memory_space<vmem>>
          tpu.vector_store_idx %scatter3A_300[%add3A_196, %add3A_7, %rem3A_9, %broadcast_in_dim3A_284], %get3A_268 : memref<50x4x8x16xf32, #tpu.memory_space<vmem>>[vector<16xi32>, vector<16xi32>, vector<16xi32>, vector<16xi32>], vector<16xf32>,
          %scatter3A_301 = arith.constant 1 : i32
          %scatter3A_302 = arith.constant 0 : i32
          %scatter3A_303 = arith.constant 0 : i32
          %scatter3A_304 = arith.constant 0 : i32
          %scatter3A_305 = arith.constant 0 : i32
          %scatter3A_306 = tpu.memref_slice %arg8[%scatter3A_301, %scatter3A_302, %scatter3A_303, %scatter3A_304, %scatter3A_305] : memref<2x50x4x8x16xf32, #tpu.memory_space<vmem>> -> memref<1x50x4x8x16xf32, #tpu.memory_space<vmem>>
          %scatter3A_307 = tpu.memref_squeeze %scatter3A_306 : memref<1x50x4x8x16xf32, #tpu.memory_space<vmem>> -> memref<50x4x8x16xf32, #tpu.memory_space<vmem>>
          tpu.vector_store_idx %scatter3A_307[%add3A_196, %div3A_4, %rem3A_9, %broadcast_in_dim3A_286], %get3A_275 : memref<50x4x8x16xf32, #tpu.memory_space<vmem>>[vector<16xi32>, vector<16xi32>, vector<16xi32>, vector<16xi32>], vector<16xf32>,
          %scatter3A_308 = arith.constant 1 : i32
          %scatter3A_309 = arith.constant 0 : i32
          %scatter3A_310 = arith.constant 0 : i32
          %scatter3A_311 = arith.constant 0 : i32
          %scatter3A_312 = arith.constant 0 : i32
          %scatter3A_313 = tpu.memref_slice %arg8[%scatter3A_308, %scatter3A_309, %scatter3A_310, %scatter3A_311, %scatter3A_312] : memref<2x50x4x8x16xf32, #tpu.memory_space<vmem>> -> memref<1x50x4x8x16xf32, #tpu.memory_space<vmem>>
          %scatter3A_314 = tpu.memref_squeeze %scatter3A_313 : memref<1x50x4x8x16xf32, #tpu.memory_space<vmem>> -> memref<50x4x8x16xf32, #tpu.memory_space<vmem>>
          tpu.vector_store_idx %scatter3A_314[%add3A_196, %add3A_7, %rem3A_9, %broadcast_in_dim3A_286], %get3A_282 : memref<50x4x8x16xf32, #tpu.memory_space<vmem>>[vector<16xi32>, vector<16xi32>, vector<16xi32>, vector<16xi32>], vector<16xf32>,
          %mul3A_315 = arith.constant 16 : i32
          %mul3A_316 = arith.muli %scan3A_193, %mul3A_315 : i32
          %add3A_317 = arith.constant 4 : i32
          %add3A_318 = arith.addi %mul3A_316, %add3A_317 : i32
          %get3A_319 = arith.constant 1 : i32
          %get3A_320 = arith.index_cast %get3A_319 : i32 to index
          %get3A_321 = arith.index_cast %add3A_318 : i32 to index
          %get3A_322 = arith.constant 0 : index
          %get3A_323 = tpu.vector_load %arg7[%get3A_320, %get3A_321, %get3A_322] {strides = array<i32>} : memref<2x800x32xf32, #tpu.memory_space<vmem>>, vector<16xf32>,
          %get3A_324 = arith.constant 1 : i32
          %get3A_325 = arith.index_cast %get3A_324 : i32 to index
          %get3A_326 = arith.index_cast %add3A_318 : i32 to index
          %get3A_327 = arith.constant 16 : index
          %get3A_328 = tpu.vector_load %arg7[%get3A_325, %get3A_326, %get3A_327] {strides = array<i32>} : memref<2x800x32xf32, #tpu.memory_space<vmem>>, vector<16xf32>,
          %add3A_329 = arith.constant 1 : i32
          %add3A_330 = arith.addi %add3A_318, %add3A_329 : i32
          %get3A_331 = arith.constant 1 : i32
          %get3A_332 = arith.index_cast %get3A_331 : i32 to index
          %get3A_333 = arith.index_cast %add3A_330 : i32 to index
          %get3A_334 = arith.constant 0 : index
          %get3A_335 = tpu.vector_load %arg7[%get3A_332, %get3A_333, %get3A_334] {strides = array<i32>} : memref<2x800x32xf32, #tpu.memory_space<vmem>>, vector<16xf32>,
          %add3A_336 = arith.constant 1 : i32
          %add3A_337 = arith.addi %add3A_318, %add3A_336 : i32
          %get3A_338 = arith.constant 1 : i32
          %get3A_339 = arith.index_cast %get3A_338 : i32 to index
          %get3A_340 = arith.index_cast %add3A_337 : i32 to index
          %get3A_341 = arith.constant 16 : index
          %get3A_342 = tpu.vector_load %arg7[%get3A_339, %get3A_340, %get3A_341] {strides = array<i32>} : memref<2x800x32xf32, #tpu.memory_space<vmem>>, vector<16xf32>,
          %broadcast_in_dim3A_343 = arith.constant 4 : i32
          %broadcast_in_dim3A_344 = vector.broadcast %broadcast_in_dim3A_343 : i32 to vector<16xi32>
          %broadcast_in_dim3A_345 = arith.constant 5 : i32
          %broadcast_in_dim3A_346 = vector.broadcast %broadcast_in_dim3A_345 : i32 to vector<16xi32>
          %scatter3A_347 = arith.constant 1 : i32
          %scatter3A_348 = arith.constant 0 : i32
          %scatter3A_349 = arith.constant 0 : i32
          %scatter3A_350 = arith.constant 0 : i32
          %scatter3A_351 = arith.constant 0 : i32
          %scatter3A_352 = tpu.memref_slice %arg8[%scatter3A_347, %scatter3A_348, %scatter3A_349, %scatter3A_350, %scatter3A_351] : memref<2x50x4x8x16xf32, #tpu.memory_space<vmem>> -> memref<1x50x4x8x16xf32, #tpu.memory_space<vmem>>
          %scatter3A_353 = tpu.memref_squeeze %scatter3A_352 : memref<1x50x4x8x16xf32, #tpu.memory_space<vmem>> -> memref<50x4x8x16xf32, #tpu.memory_space<vmem>>
          tpu.vector_store_idx %scatter3A_353[%add3A_196, %div3A_4, %rem3A_9, %broadcast_in_dim3A_344], %get3A_323 : memref<50x4x8x16xf32, #tpu.memory_space<vmem>>[vector<16xi32>, vector<16xi32>, vector<16xi32>, vector<16xi32>], vector<16xf32>,
          %scatter3A_354 = arith.constant 1 : i32
          %scatter3A_355 = arith.constant 0 : i32
          %scatter3A_356 = arith.constant 0 : i32
          %scatter3A_357 = arith.constant 0 : i32
          %scatter3A_358 = arith.constant 0 : i32
          %scatter3A_359 = tpu.memref_slice %arg8[%scatter3A_354, %scatter3A_355, %scatter3A_356, %scatter3A_357, %scatter3A_358] : memref<2x50x4x8x16xf32, #tpu.memory_space<vmem>> -> memref<1x50x4x8x16xf32, #tpu.memory_space<vmem>>
          %scatter3A_360 = tpu.memref_squeeze %scatter3A_359 : memref<1x50x4x8x16xf32, #tpu.memory_space<vmem>> -> memref<50x4x8x16xf32, #tpu.memory_space<vmem>>
          tpu.vector_store_idx %scatter3A_360[%add3A_196, %add3A_7, %rem3A_9, %broadcast_in_dim3A_344], %get3A_328 : memref<50x4x8x16xf32, #tpu.memory_space<vmem>>[vector<16xi32>, vector<16xi32>, vector<16xi32>, vector<16xi32>], vector<16xf32>,
          %scatter3A_361 = arith.constant 1 : i32
          %scatter3A_362 = arith.constant 0 : i32
          %scatter3A_363 = arith.constant 0 : i32
          %scatter3A_364 = arith.constant 0 : i32
          %scatter3A_365 = arith.constant 0 : i32
          %scatter3A_366 = tpu.memref_slice %arg8[%scatter3A_361, %scatter3A_362, %scatter3A_363, %scatter3A_364, %scatter3A_365] : memref<2x50x4x8x16xf32, #tpu.memory_space<vmem>> -> memref<1x50x4x8x16xf32, #tpu.memory_space<vmem>>
          %scatter3A_367 = tpu.memref_squeeze %scatter3A_366 : memref<1x50x4x8x16xf32, #tpu.memory_space<vmem>> -> memref<50x4x8x16xf32, #tpu.memory_space<vmem>>
          tpu.vector_store_idx %scatter3A_367[%add3A_196, %div3A_4, %rem3A_9, %broadcast_in_dim3A_346], %get3A_335 : memref<50x4x8x16xf32, #tpu.memory_space<vmem>>[vector<16xi32>, vector<16xi32>, vector<16xi32>, vector<16xi32>], vector<16xf32>,
          %scatter3A_368 = arith.constant 1 : i32
          %scatter3A_369 = arith.constant 0 : i32
          %scatter3A_370 = arith.constant 0 : i32
          %scatter3A_371 = arith.constant 0 : i32
          %scatter3A_372 = arith.constant 0 : i32
          %scatter3A_373 = tpu.memref_slice %arg8[%scatter3A_368, %scatter3A_369, %scatter3A_370, %scatter3A_371, %scatter3A_372] : memref<2x50x4x8x16xf32, #tpu.memory_space<vmem>> -> memref<1x50x4x8x16xf32, #tpu.memory_space<vmem>>
          %scatter3A_374 = tpu.memref_squeeze %scatter3A_373 : memref<1x50x4x8x16xf32, #tpu.memory_space<vmem>> -> memref<50x4x8x16xf32, #tpu.memory_space<vmem>>
          tpu.vector_store_idx %scatter3A_374[%add3A_196, %add3A_7, %rem3A_9, %broadcast_in_dim3A_346], %get3A_342 : memref<50x4x8x16xf32, #tpu.memory_space<vmem>>[vector<16xi32>, vector<16xi32>, vector<16xi32>, vector<16xi32>], vector<16xf32>,
          %mul3A_375 = arith.constant 16 : i32
          %mul3A_376 = arith.muli %scan3A_193, %mul3A_375 : i32
          %add3A_377 = arith.constant 6 : i32
          %add3A_378 = arith.addi %mul3A_376, %add3A_377 : i32
          %get3A_379 = arith.constant 1 : i32
          %get3A_380 = arith.index_cast %get3A_379 : i32 to index
          %get3A_381 = arith.index_cast %add3A_378 : i32 to index
          %get3A_382 = arith.constant 0 : index
          %get3A_383 = tpu.vector_load %arg7[%get3A_380, %get3A_381, %get3A_382] {strides = array<i32>} : memref<2x800x32xf32, #tpu.memory_space<vmem>>, vector<16xf32>,
          %get3A_384 = arith.constant 1 : i32
          %get3A_385 = arith.index_cast %get3A_384 : i32 to index
          %get3A_386 = arith.index_cast %add3A_378 : i32 to index
          %get3A_387 = arith.constant 16 : index
          %get3A_388 = tpu.vector_load %arg7[%get3A_385, %get3A_386, %get3A_387] {strides = array<i32>} : memref<2x800x32xf32, #tpu.memory_space<vmem>>, vector<16xf32>,
          %add3A_389 = arith.constant 1 : i32
          %add3A_390 = arith.addi %add3A_378, %add3A_389 : i32
          %get3A_391 = arith.constant 1 : i32
          %get3A_392 = arith.index_cast %get3A_391 : i32 to index
          %get3A_393 = arith.index_cast %add3A_390 : i32 to index
          %get3A_394 = arith.constant 0 : index
          %get3A_395 = tpu.vector_load %arg7[%get3A_392, %get3A_393, %get3A_394] {strides = array<i32>} : memref<2x800x32xf32, #tpu.memory_space<vmem>>, vector<16xf32>,
          %add3A_396 = arith.constant 1 : i32
          %add3A_397 = arith.addi %add3A_378, %add3A_396 : i32
          %get3A_398 = arith.constant 1 : i32
          %get3A_399 = arith.index_cast %get3A_398 : i32 to index
          %get3A_400 = arith.index_cast %add3A_397 : i32 to index
          %get3A_401 = arith.constant 16 : index
          %get3A_402 = tpu.vector_load %arg7[%get3A_399, %get3A_400, %get3A_401] {strides = array<i32>} : memref<2x800x32xf32, #tpu.memory_space<vmem>>, vector<16xf32>,
          %broadcast_in_dim3A_403 = arith.constant 6 : i32
          %broadcast_in_dim3A_404 = vector.broadcast %broadcast_in_dim3A_403 : i32 to vector<16xi32>
          %broadcast_in_dim3A_405 = arith.constant 7 : i32
          %broadcast_in_dim3A_406 = vector.broadcast %broadcast_in_dim3A_405 : i32 to vector<16xi32>
          %scatter3A_407 = arith.constant 1 : i32
          %scatter3A_408 = arith.constant 0 : i32
          %scatter3A_409 = arith.constant 0 : i32
          %scatter3A_410 = arith.constant 0 : i32
          %scatter3A_411 = arith.constant 0 : i32
          %scatter3A_412 = tpu.memref_slice %arg8[%scatter3A_407, %scatter3A_408, %scatter3A_409, %scatter3A_410, %scatter3A_411] : memref<2x50x4x8x16xf32, #tpu.memory_space<vmem>> -> memref<1x50x4x8x16xf32, #tpu.memory_space<vmem>>
          %scatter3A_413 = tpu.memref_squeeze %scatter3A_412 : memref<1x50x4x8x16xf32, #tpu.memory_space<vmem>> -> memref<50x4x8x16xf32, #tpu.memory_space<vmem>>
          tpu.vector_store_idx %scatter3A_413[%add3A_196, %div3A_4, %rem3A_9, %broadcast_in_dim3A_404], %get3A_383 : memref<50x4x8x16xf32, #tpu.memory_space<vmem>>[vector<16xi32>, vector<16xi32>, vector<16xi32>, vector<16xi32>], vector<16xf32>,
          %scatter3A_414 = arith.constant 1 : i32
          %scatter3A_415 = arith.constant 0 : i32
          %scatter3A_416 = arith.constant 0 : i32
          %scatter3A_417 = arith.constant 0 : i32
          %scatter3A_418 = arith.constant 0 : i32
          %scatter3A_419 = tpu.memref_slice %arg8[%scatter3A_414, %scatter3A_415, %scatter3A_416, %scatter3A_417, %scatter3A_418] : memref<2x50x4x8x16xf32, #tpu.memory_space<vmem>> -> memref<1x50x4x8x16xf32, #tpu.memory_space<vmem>>
          %scatter3A_420 = tpu.memref_squeeze %scatter3A_419 : memref<1x50x4x8x16xf32, #tpu.memory_space<vmem>> -> memref<50x4x8x16xf32, #tpu.memory_space<vmem>>
          tpu.vector_store_idx %scatter3A_420[%add3A_196, %add3A_7, %rem3A_9, %broadcast_in_dim3A_404], %get3A_388 : memref<50x4x8x16xf32, #tpu.memory_space<vmem>>[vector<16xi32>, vector<16xi32>, vector<16xi32>, vector<16xi32>], vector<16xf32>,
          %scatter3A_421 = arith.constant 1 : i32
          %scatter3A_422 = arith.constant 0 : i32
          %scatter3A_423 = arith.constant 0 : i32
          %scatter3A_424 = arith.constant 0 : i32
          %scatter3A_425 = arith.constant 0 : i32
          %scatter3A_426 = tpu.memref_slice %arg8[%scatter3A_421, %scatter3A_422, %scatter3A_423, %scatter3A_424, %scatter3A_425] : memref<2x50x4x8x16xf32, #tpu.memory_space<vmem>> -> memref<1x50x4x8x16xf32, #tpu.memory_space<vmem>>
          %scatter3A_427 = tpu.memref_squeeze %scatter3A_426 : memref<1x50x4x8x16xf32, #tpu.memory_space<vmem>> -> memref<50x4x8x16xf32, #tpu.memory_space<vmem>>
          tpu.vector_store_idx %scatter3A_427[%add3A_196, %div3A_4, %rem3A_9, %broadcast_in_dim3A_406], %get3A_395 : memref<50x4x8x16xf32, #tpu.memory_space<vmem>>[vector<16xi32>, vector<16xi32>, vector<16xi32>, vector<16xi32>], vector<16xf32>,
          %scatter3A_428 = arith.constant 1 : i32
          %scatter3A_429 = arith.constant 0 : i32
          %scatter3A_430 = arith.constant 0 : i32
          %scatter3A_431 = arith.constant 0 : i32
          %scatter3A_432 = arith.constant 0 : i32
          %scatter3A_433 = tpu.memref_slice %arg8[%scatter3A_428, %scatter3A_429, %scatter3A_430, %scatter3A_431, %scatter3A_432] : memref<2x50x4x8x16xf32, #tpu.memory_space<vmem>> -> memref<1x50x4x8x16xf32, #tpu.memory_space<vmem>>
          %scatter3A_434 = tpu.memref_squeeze %scatter3A_433 : memref<1x50x4x8x16xf32, #tpu.memory_space<vmem>> -> memref<50x4x8x16xf32, #tpu.memory_space<vmem>>
          tpu.vector_store_idx %scatter3A_434[%add3A_196, %add3A_7, %rem3A_9, %broadcast_in_dim3A_406], %get3A_402 : memref<50x4x8x16xf32, #tpu.memory_space<vmem>>[vector<16xi32>, vector<16xi32>, vector<16xi32>, vector<16xi32>], vector<16xf32>,
          %mul3A_435 = arith.constant 16 : i32
          %mul3A_436 = arith.muli %scan3A_193, %mul3A_435 : i32
          %add3A_437 = arith.constant 8 : i32
          %add3A_438 = arith.addi %mul3A_436, %add3A_437 : i32
          %get3A_439 = arith.constant 1 : i32
          %get3A_440 = arith.index_cast %get3A_439 : i32 to index
          %get3A_441 = arith.index_cast %add3A_438 : i32 to index
          %get3A_442 = arith.constant 0 : index
          %get3A_443 = tpu.vector_load %arg7[%get3A_440, %get3A_441, %get3A_442] {strides = array<i32>} : memref<2x800x32xf32, #tpu.memory_space<vmem>>, vector<16xf32>,
          %get3A_444 = arith.constant 1 : i32
          %get3A_445 = arith.index_cast %get3A_444 : i32 to index
          %get3A_446 = arith.index_cast %add3A_438 : i32 to index
          %get3A_447 = arith.constant 16 : index
          %get3A_448 = tpu.vector_load %arg7[%get3A_445, %get3A_446, %get3A_447] {strides = array<i32>} : memref<2x800x32xf32, #tpu.memory_space<vmem>>, vector<16xf32>,
          %add3A_449 = arith.constant 1 : i32
          %add3A_450 = arith.addi %add3A_438, %add3A_449 : i32
          %get3A_451 = arith.constant 1 : i32
          %get3A_452 = arith.index_cast %get3A_451 : i32 to index
          %get3A_453 = arith.index_cast %add3A_450 : i32 to index
          %get3A_454 = arith.constant 0 : index
          %get3A_455 = tpu.vector_load %arg7[%get3A_452, %get3A_453, %get3A_454] {strides = array<i32>} : memref<2x800x32xf32, #tpu.memory_space<vmem>>, vector<16xf32>,
          %add3A_456 = arith.constant 1 : i32
          %add3A_457 = arith.addi %add3A_438, %add3A_456 : i32
          %get3A_458 = arith.constant 1 : i32
          %get3A_459 = arith.index_cast %get3A_458 : i32 to index
          %get3A_460 = arith.index_cast %add3A_457 : i32 to index
          %get3A_461 = arith.constant 16 : index
          %get3A_462 = tpu.vector_load %arg7[%get3A_459, %get3A_460, %get3A_461] {strides = array<i32>} : memref<2x800x32xf32, #tpu.memory_space<vmem>>, vector<16xf32>,
          %broadcast_in_dim3A_463 = arith.constant 8 : i32
          %broadcast_in_dim3A_464 = vector.broadcast %broadcast_in_dim3A_463 : i32 to vector<16xi32>
          %broadcast_in_dim3A_465 = arith.constant 9 : i32
          %broadcast_in_dim3A_466 = vector.broadcast %broadcast_in_dim3A_465 : i32 to vector<16xi32>
          %scatter3A_467 = arith.constant 1 : i32
          %scatter3A_468 = arith.constant 0 : i32
          %scatter3A_469 = arith.constant 0 : i32
          %scatter3A_470 = arith.constant 0 : i32
          %scatter3A_471 = arith.constant 0 : i32
          %scatter3A_472 = tpu.memref_slice %arg8[%scatter3A_467, %scatter3A_468, %scatter3A_469, %scatter3A_470, %scatter3A_471] : memref<2x50x4x8x16xf32, #tpu.memory_space<vmem>> -> memref<1x50x4x8x16xf32, #tpu.memory_space<vmem>>
          %scatter3A_473 = tpu.memref_squeeze %scatter3A_472 : memref<1x50x4x8x16xf32, #tpu.memory_space<vmem>> -> memref<50x4x8x16xf32, #tpu.memory_space<vmem>>
          tpu.vector_store_idx %scatter3A_473[%add3A_196, %div3A_4, %rem3A_9, %broadcast_in_dim3A_464], %get3A_443 : memref<50x4x8x16xf32, #tpu.memory_space<vmem>>[vector<16xi32>, vector<16xi32>, vector<16xi32>, vector<16xi32>], vector<16xf32>,
          %scatter3A_474 = arith.constant 1 : i32
          %scatter3A_475 = arith.constant 0 : i32
          %scatter3A_476 = arith.constant 0 : i32
          %scatter3A_477 = arith.constant 0 : i32
          %scatter3A_478 = arith.constant 0 : i32
          %scatter3A_479 = tpu.memref_slice %arg8[%scatter3A_474, %scatter3A_475, %scatter3A_476, %scatter3A_477, %scatter3A_478] : memref<2x50x4x8x16xf32, #tpu.memory_space<vmem>> -> memref<1x50x4x8x16xf32, #tpu.memory_space<vmem>>
          %scatter3A_480 = tpu.memref_squeeze %scatter3A_479 : memref<1x50x4x8x16xf32, #tpu.memory_space<vmem>> -> memref<50x4x8x16xf32, #tpu.memory_space<vmem>>
          tpu.vector_store_idx %scatter3A_480[%add3A_196, %add3A_7, %rem3A_9, %broadcast_in_dim3A_464], %get3A_448 : memref<50x4x8x16xf32, #tpu.memory_space<vmem>>[vector<16xi32>, vector<16xi32>, vector<16xi32>, vector<16xi32>], vector<16xf32>,
          %scatter3A_481 = arith.constant 1 : i32
          %scatter3A_482 = arith.constant 0 : i32
          %scatter3A_483 = arith.constant 0 : i32
          %scatter3A_484 = arith.constant 0 : i32
          %scatter3A_485 = arith.constant 0 : i32
          %scatter3A_486 = tpu.memref_slice %arg8[%scatter3A_481, %scatter3A_482, %scatter3A_483, %scatter3A_484, %scatter3A_485] : memref<2x50x4x8x16xf32, #tpu.memory_space<vmem>> -> memref<1x50x4x8x16xf32, #tpu.memory_space<vmem>>
          %scatter3A_487 = tpu.memref_squeeze %scatter3A_486 : memref<1x50x4x8x16xf32, #tpu.memory_space<vmem>> -> memref<50x4x8x16xf32, #tpu.memory_space<vmem>>
          tpu.vector_store_idx %scatter3A_487[%add3A_196, %div3A_4, %rem3A_9, %broadcast_in_dim3A_466], %get3A_455 : memref<50x4x8x16xf32, #tpu.memory_space<vmem>>[vector<16xi32>, vector<16xi32>, vector<16xi32>, vector<16xi32>], vector<16xf32>,
          %scatter3A_488 = arith.constant 1 : i32
          %scatter3A_489 = arith.constant 0 : i32
          %scatter3A_490 = arith.constant 0 : i32
          %scatter3A_491 = arith.constant 0 : i32
          %scatter3A_492 = arith.constant 0 : i32
          %scatter3A_493 = tpu.memref_slice %arg8[%scatter3A_488, %scatter3A_489, %scatter3A_490, %scatter3A_491, %scatter3A_492] : memref<2x50x4x8x16xf32, #tpu.memory_space<vmem>> -> memref<1x50x4x8x16xf32, #tpu.memory_space<vmem>>
          %scatter3A_494 = tpu.memref_squeeze %scatter3A_493 : memref<1x50x4x8x16xf32, #tpu.memory_space<vmem>> -> memref<50x4x8x16xf32, #tpu.memory_space<vmem>>
          tpu.vector_store_idx %scatter3A_494[%add3A_196, %add3A_7, %rem3A_9, %broadcast_in_dim3A_466], %get3A_462 : memref<50x4x8x16xf32, #tpu.memory_space<vmem>>[vector<16xi32>, vector<16xi32>, vector<16xi32>, vector<16xi32>], vector<16xf32>,
          %mul3A_495 = arith.constant 16 : i32
          %mul3A_496 = arith.muli %scan3A_193, %mul3A_495 : i32
          %add3A_497 = arith.constant 10 : i32
          %add3A_498 = arith.addi %mul3A_496, %add3A_497 : i32
          %get3A_499 = arith.constant 1 : i32
          %get3A_500 = arith.index_cast %get3A_499 : i32 to index
          %get3A_501 = arith.index_cast %add3A_498 : i32 to index
          %get3A_502 = arith.constant 0 : index
          %get3A_503 = tpu.vector_load %arg7[%get3A_500, %get3A_501, %get3A_502] {strides = array<i32>} : memref<2x800x32xf32, #tpu.memory_space<vmem>>, vector<16xf32>,
          %get3A_504 = arith.constant 1 : i32
          %get3A_505 = arith.index_cast %get3A_504 : i32 to index
          %get3A_506 = arith.index_cast %add3A_498 : i32 to index
          %get3A_507 = arith.constant 16 : index
          %get3A_508 = tpu.vector_load %arg7[%get3A_505, %get3A_506, %get3A_507] {strides = array<i32>} : memref<2x800x32xf32, #tpu.memory_space<vmem>>, vector<16xf32>,
          %add3A_509 = arith.constant 1 : i32
          %add3A_510 = arith.addi %add3A_498, %add3A_509 : i32
          %get3A_511 = arith.constant 1 : i32
          %get3A_512 = arith.index_cast %get3A_511 : i32 to index
          %get3A_513 = arith.index_cast %add3A_510 : i32 to index
          %get3A_514 = arith.constant 0 : index
          %get3A_515 = tpu.vector_load %arg7[%get3A_512, %get3A_513, %get3A_514] {strides = array<i32>} : memref<2x800x32xf32, #tpu.memory_space<vmem>>, vector<16xf32>,
          %add3A_516 = arith.constant 1 : i32
          %add3A_517 = arith.addi %add3A_498, %add3A_516 : i32
          %get3A_518 = arith.constant 1 : i32
          %get3A_519 = arith.index_cast %get3A_518 : i32 to index
          %get3A_520 = arith.index_cast %add3A_517 : i32 to index
          %get3A_521 = arith.constant 16 : index
          %get3A_522 = tpu.vector_load %arg7[%get3A_519, %get3A_520, %get3A_521] {strides = array<i32>} : memref<2x800x32xf32, #tpu.memory_space<vmem>>, vector<16xf32>,
          %broadcast_in_dim3A_523 = arith.constant 10 : i32
          %broadcast_in_dim3A_524 = vector.broadcast %broadcast_in_dim3A_523 : i32 to vector<16xi32>
          %broadcast_in_dim3A_525 = arith.constant 11 : i32
          %broadcast_in_dim3A_526 = vector.broadcast %broadcast_in_dim3A_525 : i32 to vector<16xi32>
          %scatter3A_527 = arith.constant 1 : i32
          %scatter3A_528 = arith.constant 0 : i32
          %scatter3A_529 = arith.constant 0 : i32
          %scatter3A_530 = arith.constant 0 : i32
          %scatter3A_531 = arith.constant 0 : i32
          %scatter3A_532 = tpu.memref_slice %arg8[%scatter3A_527, %scatter3A_528, %scatter3A_529, %scatter3A_530, %scatter3A_531] : memref<2x50x4x8x16xf32, #tpu.memory_space<vmem>> -> memref<1x50x4x8x16xf32, #tpu.memory_space<vmem>>
          %scatter3A_533 = tpu.memref_squeeze %scatter3A_532 : memref<1x50x4x8x16xf32, #tpu.memory_space<vmem>> -> memref<50x4x8x16xf32, #tpu.memory_space<vmem>>
          tpu.vector_store_idx %scatter3A_533[%add3A_196, %div3A_4, %rem3A_9, %broadcast_in_dim3A_524], %get3A_503 : memref<50x4x8x16xf32, #tpu.memory_space<vmem>>[vector<16xi32>, vector<16xi32>, vector<16xi32>, vector<16xi32>], vector<16xf32>,
          %scatter3A_534 = arith.constant 1 : i32
          %scatter3A_535 = arith.constant 0 : i32
          %scatter3A_536 = arith.constant 0 : i32
          %scatter3A_537 = arith.constant 0 : i32
          %scatter3A_538 = arith.constant 0 : i32
          %scatter3A_539 = tpu.memref_slice %arg8[%scatter3A_534, %scatter3A_535, %scatter3A_536, %scatter3A_537, %scatter3A_538] : memref<2x50x4x8x16xf32, #tpu.memory_space<vmem>> -> memref<1x50x4x8x16xf32, #tpu.memory_space<vmem>>
          %scatter3A_540 = tpu.memref_squeeze %scatter3A_539 : memref<1x50x4x8x16xf32, #tpu.memory_space<vmem>> -> memref<50x4x8x16xf32, #tpu.memory_space<vmem>>
          tpu.vector_store_idx %scatter3A_540[%add3A_196, %add3A_7, %rem3A_9, %broadcast_in_dim3A_524], %get3A_508 : memref<50x4x8x16xf32, #tpu.memory_space<vmem>>[vector<16xi32>, vector<16xi32>, vector<16xi32>, vector<16xi32>], vector<16xf32>,
          %scatter3A_541 = arith.constant 1 : i32
          %scatter3A_542 = arith.constant 0 : i32
          %scatter3A_543 = arith.constant 0 : i32
          %scatter3A_544 = arith.constant 0 : i32
          %scatter3A_545 = arith.constant 0 : i32
          %scatter3A_546 = tpu.memref_slice %arg8[%scatter3A_541, %scatter3A_542, %scatter3A_543, %scatter3A_544, %scatter3A_545] : memref<2x50x4x8x16xf32, #tpu.memory_space<vmem>> -> memref<1x50x4x8x16xf32, #tpu.memory_space<vmem>>
          %scatter3A_547 = tpu.memref_squeeze %scatter3A_546 : memref<1x50x4x8x16xf32, #tpu.memory_space<vmem>> -> memref<50x4x8x16xf32, #tpu.memory_space<vmem>>
          tpu.vector_store_idx %scatter3A_547[%add3A_196, %div3A_4, %rem3A_9, %broadcast_in_dim3A_526], %get3A_515 : memref<50x4x8x16xf32, #tpu.memory_space<vmem>>[vector<16xi32>, vector<16xi32>, vector<16xi32>, vector<16xi32>], vector<16xf32>,
          %scatter3A_548 = arith.constant 1 : i32
          %scatter3A_549 = arith.constant 0 : i32
          %scatter3A_550 = arith.constant 0 : i32
          %scatter3A_551 = arith.constant 0 : i32
          %scatter3A_552 = arith.constant 0 : i32
          %scatter3A_553 = tpu.memref_slice %arg8[%scatter3A_548, %scatter3A_549, %scatter3A_550, %scatter3A_551, %scatter3A_552] : memref<2x50x4x8x16xf32, #tpu.memory_space<vmem>> -> memref<1x50x4x8x16xf32, #tpu.memory_space<vmem>>
          %scatter3A_554 = tpu.memref_squeeze %scatter3A_553 : memref<1x50x4x8x16xf32, #tpu.memory_space<vmem>> -> memref<50x4x8x16xf32, #tpu.memory_space<vmem>>
          tpu.vector_store_idx %scatter3A_554[%add3A_196, %add3A_7, %rem3A_9, %broadcast_in_dim3A_526], %get3A_522 : memref<50x4x8x16xf32, #tpu.memory_space<vmem>>[vector<16xi32>, vector<16xi32>, vector<16xi32>, vector<16xi32>], vector<16xf32>,
          %mul3A_555 = arith.constant 16 : i32
          %mul3A_556 = arith.muli %scan3A_193, %mul3A_555 : i32
          %add3A_557 = arith.constant 12 : i32
          %add3A_558 = arith.addi %mul3A_556, %add3A_557 : i32
          %get3A_559 = arith.constant 1 : i32
          %get3A_560 = arith.index_cast %get3A_559 : i32 to index
          %get3A_561 = arith.index_cast %add3A_558 : i32 to index
          %get3A_562 = arith.constant 0 : index
          %get3A_563 = tpu.vector_load %arg7[%get3A_560, %get3A_561, %get3A_562] {strides = array<i32>} : memref<2x800x32xf32, #tpu.memory_space<vmem>>, vector<16xf32>,
          %get3A_564 = arith.constant 1 : i32
          %get3A_565 = arith.index_cast %get3A_564 : i32 to index
          %get3A_566 = arith.index_cast %add3A_558 : i32 to index
          %get3A_567 = arith.constant 16 : index
          %get3A_568 = tpu.vector_load %arg7[%get3A_565, %get3A_566, %get3A_567] {strides = array<i32>} : memref<2x800x32xf32, #tpu.memory_space<vmem>>, vector<16xf32>,
          %add3A_569 = arith.constant 1 : i32
          %add3A_570 = arith.addi %add3A_558, %add3A_569 : i32
          %get3A_571 = arith.constant 1 : i32
          %get3A_572 = arith.index_cast %get3A_571 : i32 to index
          %get3A_573 = arith.index_cast %add3A_570 : i32 to index
          %get3A_574 = arith.constant 0 : index
          %get3A_575 = tpu.vector_load %arg7[%get3A_572, %get3A_573, %get3A_574] {strides = array<i32>} : memref<2x800x32xf32, #tpu.memory_space<vmem>>, vector<16xf32>,
          %add3A_576 = arith.constant 1 : i32
          %add3A_577 = arith.addi %add3A_558, %add3A_576 : i32
          %get3A_578 = arith.constant 1 : i32
          %get3A_579 = arith.index_cast %get3A_578 : i32 to index
          %get3A_580 = arith.index_cast %add3A_577 : i32 to index
          %get3A_581 = arith.constant 16 : index
          %get3A_582 = tpu.vector_load %arg7[%get3A_579, %get3A_580, %get3A_581] {strides = array<i32>} : memref<2x800x32xf32, #tpu.memory_space<vmem>>, vector<16xf32>,
          %broadcast_in_dim3A_583 = arith.constant 12 : i32
          %broadcast_in_dim3A_584 = vector.broadcast %broadcast_in_dim3A_583 : i32 to vector<16xi32>
          %broadcast_in_dim3A_585 = arith.constant 13 : i32
          %broadcast_in_dim3A_586 = vector.broadcast %broadcast_in_dim3A_585 : i32 to vector<16xi32>
          %scatter3A_587 = arith.constant 1 : i32
          %scatter3A_588 = arith.constant 0 : i32
          %scatter3A_589 = arith.constant 0 : i32
          %scatter3A_590 = arith.constant 0 : i32
          %scatter3A_591 = arith.constant 0 : i32
          %scatter3A_592 = tpu.memref_slice %arg8[%scatter3A_587, %scatter3A_588, %scatter3A_589, %scatter3A_590, %scatter3A_591] : memref<2x50x4x8x16xf32, #tpu.memory_space<vmem>> -> memref<1x50x4x8x16xf32, #tpu.memory_space<vmem>>
          %scatter3A_593 = tpu.memref_squeeze %scatter3A_592 : memref<1x50x4x8x16xf32, #tpu.memory_space<vmem>> -> memref<50x4x8x16xf32, #tpu.memory_space<vmem>>
          tpu.vector_store_idx %scatter3A_593[%add3A_196, %div3A_4, %rem3A_9, %broadcast_in_dim3A_584], %get3A_563 : memref<50x4x8x16xf32, #tpu.memory_space<vmem>>[vector<16xi32>, vector<16xi32>, vector<16xi32>, vector<16xi32>], vector<16xf32>,
          %scatter3A_594 = arith.constant 1 : i32
          %scatter3A_595 = arith.constant 0 : i32
          %scatter3A_596 = arith.constant 0 : i32
          %scatter3A_597 = arith.constant 0 : i32
          %scatter3A_598 = arith.constant 0 : i32
          %scatter3A_599 = tpu.memref_slice %arg8[%scatter3A_594, %scatter3A_595, %scatter3A_596, %scatter3A_597, %scatter3A_598] : memref<2x50x4x8x16xf32, #tpu.memory_space<vmem>> -> memref<1x50x4x8x16xf32, #tpu.memory_space<vmem>>
          %scatter3A_600 = tpu.memref_squeeze %scatter3A_599 : memref<1x50x4x8x16xf32, #tpu.memory_space<vmem>> -> memref<50x4x8x16xf32, #tpu.memory_space<vmem>>
          tpu.vector_store_idx %scatter3A_600[%add3A_196, %add3A_7, %rem3A_9, %broadcast_in_dim3A_584], %get3A_568 : memref<50x4x8x16xf32, #tpu.memory_space<vmem>>[vector<16xi32>, vector<16xi32>, vector<16xi32>, vector<16xi32>], vector<16xf32>,
          %scatter3A_601 = arith.constant 1 : i32
          %scatter3A_602 = arith.constant 0 : i32
          %scatter3A_603 = arith.constant 0 : i32
          %scatter3A_604 = arith.constant 0 : i32
          %scatter3A_605 = arith.constant 0 : i32
          %scatter3A_606 = tpu.memref_slice %arg8[%scatter3A_601, %scatter3A_602, %scatter3A_603, %scatter3A_604, %scatter3A_605] : memref<2x50x4x8x16xf32, #tpu.memory_space<vmem>> -> memref<1x50x4x8x16xf32, #tpu.memory_space<vmem>>
          %scatter3A_607 = tpu.memref_squeeze %scatter3A_606 : memref<1x50x4x8x16xf32, #tpu.memory_space<vmem>> -> memref<50x4x8x16xf32, #tpu.memory_space<vmem>>
          tpu.vector_store_idx %scatter3A_607[%add3A_196, %div3A_4, %rem3A_9, %broadcast_in_dim3A_586], %get3A_575 : memref<50x4x8x16xf32, #tpu.memory_space<vmem>>[vector<16xi32>, vector<16xi32>, vector<16xi32>, vector<16xi32>], vector<16xf32>,
          %scatter3A_608 = arith.constant 1 : i32
          %scatter3A_609 = arith.constant 0 : i32
          %scatter3A_610 = arith.constant 0 : i32
          %scatter3A_611 = arith.constant 0 : i32
          %scatter3A_612 = arith.constant 0 : i32
          %scatter3A_613 = tpu.memref_slice %arg8[%scatter3A_608, %scatter3A_609, %scatter3A_610, %scatter3A_611, %scatter3A_612] : memref<2x50x4x8x16xf32, #tpu.memory_space<vmem>> -> memref<1x50x4x8x16xf32, #tpu.memory_space<vmem>>
          %scatter3A_614 = tpu.memref_squeeze %scatter3A_613 : memref<1x50x4x8x16xf32, #tpu.memory_space<vmem>> -> memref<50x4x8x16xf32, #tpu.memory_space<vmem>>
          tpu.vector_store_idx %scatter3A_614[%add3A_196, %add3A_7, %rem3A_9, %broadcast_in_dim3A_586], %get3A_582 : memref<50x4x8x16xf32, #tpu.memory_space<vmem>>[vector<16xi32>, vector<16xi32>, vector<16xi32>, vector<16xi32>], vector<16xf32>,
          %mul3A_615 = arith.constant 16 : i32
          %mul3A_616 = arith.muli %scan3A_193, %mul3A_615 : i32
          %add3A_617 = arith.constant 14 : i32
          %add3A_618 = arith.addi %mul3A_616, %add3A_617 : i32
          %get3A_619 = arith.constant 1 : i32
          %get3A_620 = arith.index_cast %get3A_619 : i32 to index
          %get3A_621 = arith.index_cast %add3A_618 : i32 to index
          %get3A_622 = arith.constant 0 : index
          %get3A_623 = tpu.vector_load %arg7[%get3A_620, %get3A_621, %get3A_622] {strides = array<i32>} : memref<2x800x32xf32, #tpu.memory_space<vmem>>, vector<16xf32>,
          %get3A_624 = arith.constant 1 : i32
          %get3A_625 = arith.index_cast %get3A_624 : i32 to index
          %get3A_626 = arith.index_cast %add3A_618 : i32 to index
          %get3A_627 = arith.constant 16 : index
          %get3A_628 = tpu.vector_load %arg7[%get3A_625, %get3A_626, %get3A_627] {strides = array<i32>} : memref<2x800x32xf32, #tpu.memory_space<vmem>>, vector<16xf32>,
          %add3A_629 = arith.constant 1 : i32
          %add3A_630 = arith.addi %add3A_618, %add3A_629 : i32
          %get3A_631 = arith.constant 1 : i32
          %get3A_632 = arith.index_cast %get3A_631 : i32 to index
          %get3A_633 = arith.index_cast %add3A_630 : i32 to index
          %get3A_634 = arith.constant 0 : index
          %get3A_635 = tpu.vector_load %arg7[%get3A_632, %get3A_633, %get3A_634] {strides = array<i32>} : memref<2x800x32xf32, #tpu.memory_space<vmem>>, vector<16xf32>,
          %add3A_636 = arith.constant 1 : i32
          %add3A_637 = arith.addi %add3A_618, %add3A_636 : i32
          %get3A_638 = arith.constant 1 : i32
          %get3A_639 = arith.index_cast %get3A_638 : i32 to index
          %get3A_640 = arith.index_cast %add3A_637 : i32 to index
          %get3A_641 = arith.constant 16 : index
          %get3A_642 = tpu.vector_load %arg7[%get3A_639, %get3A_640, %get3A_641] {strides = array<i32>} : memref<2x800x32xf32, #tpu.memory_space<vmem>>, vector<16xf32>,
          %broadcast_in_dim3A_643 = arith.constant 14 : i32
          %broadcast_in_dim3A_644 = vector.broadcast %broadcast_in_dim3A_643 : i32 to vector<16xi32>
          %broadcast_in_dim3A_645 = arith.constant 15 : i32
          %broadcast_in_dim3A_646 = vector.broadcast %broadcast_in_dim3A_645 : i32 to vector<16xi32>
          %scatter3A_647 = arith.constant 1 : i32
          %scatter3A_648 = arith.constant 0 : i32
          %scatter3A_649 = arith.constant 0 : i32
          %scatter3A_650 = arith.constant 0 : i32
          %scatter3A_651 = arith.constant 0 : i32
          %scatter3A_652 = tpu.memref_slice %arg8[%scatter3A_647, %scatter3A_648, %scatter3A_649, %scatter3A_650, %scatter3A_651] : memref<2x50x4x8x16xf32, #tpu.memory_space<vmem>> -> memref<1x50x4x8x16xf32, #tpu.memory_space<vmem>>
          %scatter3A_653 = tpu.memref_squeeze %scatter3A_652 : memref<1x50x4x8x16xf32, #tpu.memory_space<vmem>> -> memref<50x4x8x16xf32, #tpu.memory_space<vmem>>
          tpu.vector_store_idx %scatter3A_653[%add3A_196, %div3A_4, %rem3A_9, %broadcast_in_dim3A_644], %get3A_623 : memref<50x4x8x16xf32, #tpu.memory_space<vmem>>[vector<16xi32>, vector<16xi32>, vector<16xi32>, vector<16xi32>], vector<16xf32>,
          %scatter3A_654 = arith.constant 1 : i32
          %scatter3A_655 = arith.constant 0 : i32
          %scatter3A_656 = arith.constant 0 : i32
          %scatter3A_657 = arith.constant 0 : i32
          %scatter3A_658 = arith.constant 0 : i32
          %scatter3A_659 = tpu.memref_slice %arg8[%scatter3A_654, %scatter3A_655, %scatter3A_656, %scatter3A_657, %scatter3A_658] : memref<2x50x4x8x16xf32, #tpu.memory_space<vmem>> -> memref<1x50x4x8x16xf32, #tpu.memory_space<vmem>>
          %scatter3A_660 = tpu.memref_squeeze %scatter3A_659 : memref<1x50x4x8x16xf32, #tpu.memory_space<vmem>> -> memref<50x4x8x16xf32, #tpu.memory_space<vmem>>
          tpu.vector_store_idx %scatter3A_660[%add3A_196, %add3A_7, %rem3A_9, %broadcast_in_dim3A_644], %get3A_628 : memref<50x4x8x16xf32, #tpu.memory_space<vmem>>[vector<16xi32>, vector<16xi32>, vector<16xi32>, vector<16xi32>], vector<16xf32>,
          %scatter3A_661 = arith.constant 1 : i32
          %scatter3A_662 = arith.constant 0 : i32
          %scatter3A_663 = arith.constant 0 : i32
          %scatter3A_664 = arith.constant 0 : i32
          %scatter3A_665 = arith.constant 0 : i32
          %scatter3A_666 = tpu.memref_slice %arg8[%scatter3A_661, %scatter3A_662, %scatter3A_663, %scatter3A_664, %scatter3A_665] : memref<2x50x4x8x16xf32, #tpu.memory_space<vmem>> -> memref<1x50x4x8x16xf32, #tpu.memory_space<vmem>>
          %scatter3A_667 = tpu.memref_squeeze %scatter3A_666 : memref<1x50x4x8x16xf32, #tpu.memory_space<vmem>> -> memref<50x4x8x16xf32, #tpu.memory_space<vmem>>
          tpu.vector_store_idx %scatter3A_667[%add3A_196, %div3A_4, %rem3A_9, %broadcast_in_dim3A_646], %get3A_635 : memref<50x4x8x16xf32, #tpu.memory_space<vmem>>[vector<16xi32>, vector<16xi32>, vector<16xi32>, vector<16xi32>], vector<16xf32>,
          %scatter3A_668 = arith.constant 1 : i32
          %scatter3A_669 = arith.constant 0 : i32
          %scatter3A_670 = arith.constant 0 : i32
          %scatter3A_671 = arith.constant 0 : i32
          %scatter3A_672 = arith.constant 0 : i32
          %scatter3A_673 = tpu.memref_slice %arg8[%scatter3A_668, %scatter3A_669, %scatter3A_670, %scatter3A_671, %scatter3A_672] : memref<2x50x4x8x16xf32, #tpu.memory_space<vmem>> -> memref<1x50x4x8x16xf32, #tpu.memory_space<vmem>>
          %scatter3A_674 = tpu.memref_squeeze %scatter3A_673 : memref<1x50x4x8x16xf32, #tpu.memory_space<vmem>> -> memref<50x4x8x16xf32, #tpu.memory_space<vmem>>
          tpu.vector_store_idx %scatter3A_674[%add3A_196, %add3A_7, %rem3A_9, %broadcast_in_dim3A_646], %get3A_642 : memref<50x4x8x16xf32, #tpu.memory_space<vmem>>[vector<16xi32>, vector<16xi32>, vector<16xi32>, vector<16xi32>], vector<16xf32>,
        }
        %scan3A_158 = arith.constant 50 : i32
        %rem3A_159 = arith.constant 2 : i32
        %rem3A_160 = arith.remsi %scan3A_116, %rem3A_159 : i32
        %mul3A_161 = arith.constant 50 : i32
        %mul3A_162 = arith.muli %rem3A_160, %mul3A_161 : i32
        %div3A_163 = arith.constant 2 : i32
        %div3A_164 = arith.divsi %scan3A_116, %div3A_163 : i32
        %mul3A_165 = arith.constant 16 : i32
        %mul3A_166 = arith.muli %div3A_164, %mul3A_165 : i32
        %add3A_167 = arith.addi %mul3A_2, %mul3A_166 : i32
        %div3A_168 = arith.constant 128 : i32
        %div3A_169 = arith.divsi %add3A_167, %div3A_168 : i32
        %rem3A_170 = arith.constant 128 : i32
        %rem3A_171 = arith.remsi %add3A_167, %rem3A_170 : i32
        %dma_start3A_172 = arith.constant 1 : i32
        %dma_start3A_173 = arith.constant 0 : i32
        %dma_start3A_174 = arith.constant 0 : i32
        %dma_start3A_175 = arith.constant 0 : i32
        %dma_start3A_176 = arith.constant 0 : i32
        %dma_start3A_177 = tpu.memref_slice %arg8[%dma_start3A_172, %dma_start3A_173, %dma_start3A_174, %dma_start3A_175, %dma_start3A_176] : memref<2x50x4x8x16xf32, #tpu.memory_space<vmem>> -> memref<1x50x4x8x16xf32, #tpu.memory_space<vmem>>
        %dma_start3A_178 = tpu.memref_squeeze %dma_start3A_177 : memref<1x50x4x8x16xf32, #tpu.memory_space<vmem>> -> memref<50x4x8x16xf32, #tpu.memory_space<vmem>>
        %dma_start3A_179 = arith.constant 0 : i32
        %dma_start3A_180 = arith.constant 0 : i32
        %dma_start3A_181 = tpu.memref_slice %arg4[%mul3A_162, %dma_start3A_179, %div3A_169, %dma_start3A_180, %rem3A_171] : memref<100x4x128x8x128xf32, #tpu.memory_space<hbm>> -> memref<50x4x1x8x16xf32, #tpu.memory_space<hbm>>
        %dma_start3A_182 = tpu.memref_squeeze %dma_start3A_181 : memref<50x4x1x8x16xf32, #tpu.memory_space<hbm>> -> memref<50x4x8x16xf32, #tpu.memory_space<hbm>>
        %dma_start3A_183 = arith.constant 0 : i32
        %dma_start3A_184 = arith.constant 0 : i32
        %dma_start3A_185 = tpu.memref_slice %arg4[%mul3A_162, %dma_start3A_183, %div3A_169, %dma_start3A_184, %rem3A_171] : memref<100x4x128x8x128xf32, #tpu.memory_space<hbm>> -> memref<50x4x1x8x16xf32, #tpu.memory_space<hbm>>
        %dma_start3A_186 = tpu.memref_squeeze %dma_start3A_185 : memref<50x4x1x8x16xf32, #tpu.memory_space<hbm>> -> memref<50x4x8x16xf32, #tpu.memory_space<hbm>>
        %dma_start3A_187 = arith.constant 0 : i32
        %dma_start3A_188 = arith.constant 0 : i32
        %dma_start3A_189 = arith.constant 0 : i32
        %dma_start3A_190 = arith.constant 0 : i32
        %dma_start3A_191 = tpu.memref_slice %arg8[%dma_start3A_172, %dma_start3A_187, %dma_start3A_188, %dma_start3A_189, %dma_start3A_190] : memref<2x50x4x8x16xf32, #tpu.memory_space<vmem>> -> memref<1x50x4x8x16xf32, #tpu.memory_space<vmem>>
        %dma_start3A_192 = tpu.memref_squeeze %dma_start3A_191 : memref<1x50x4x8x16xf32, #tpu.memory_space<vmem>> -> memref<50x4x8x16xf32, #tpu.memory_space<vmem>>
        tpu.enqueue_dma source(%dma_start3A_192 : memref<50x4x8x16xf32, #tpu.memory_space<vmem>>) target(%dma_start3A_186 : memref<50x4x8x16xf32, #tpu.memory_space<hbm>>) target_semaphore(%arg12 : memref<!tpu.dma_semaphore, #tpu.memory_space<semaphore_mem>>)
      } else {
      }
    }
    %scan3A_42 = arith.constant 64 : i32
    %jit3A = arith.constant 128 : i32
    %eq3A = arith.constant 0 : i32
    %eq3A_43 = arith.cmpi eq, %jit3A, %eq3A : i32
    %jit3A_44 = arith.constant 1 : i32
    %select_n3A = arith.select %eq3A_43, %jit3A_44, %jit3A : i32
    %rem3A_45 = arith.remsi %mul3A_2, %select_n3A : i32
    %ne3A = arith.constant 0 : i32
    %ne3A_46 = arith.cmpi ne, %rem3A_45, %ne3A : i32
    %lt3A = arith.constant 0 : i32
    %lt3A_47 = arith.cmpi slt, %rem3A_45, %lt3A : i32
    %lt3A_48 = arith.constant 0 : i32
    %lt3A_49 = arith.cmpi slt, %select_n3A, %lt3A_48 : i32
    %ne3A_50 = arith.xori %lt3A_47, %lt3A_49 : i1
    %and3A = arith.andi %ne3A_50, %ne3A_46 : i1
    %add3A_51 = arith.addi %rem3A_45, %select_n3A : i32
    %select_n3A_52 = arith.select %and3A, %add3A_51, %rem3A_45 : i32
    %dma_wait3A = arith.constant 0 : i32
    %dma_wait3A_53 = arith.constant 0 : i32
    %dma_wait3A_54 = arith.constant 0 : i32
    %dma_wait3A_55 = arith.constant 0 : i32
    %dma_wait3A_56 = arith.constant 0 : i32
    %dma_wait3A_57 = arith.constant 0 : i32
    %dma_wait3A_58 = tpu.memref_slice %arg8[%dma_wait3A, %dma_wait3A_54, %dma_wait3A_55, %dma_wait3A_56, %dma_wait3A_57] : memref<2x50x4x8x16xf32, #tpu.memory_space<vmem>> -> memref<1x50x4x8x16xf32, #tpu.memory_space<vmem>>
    %dma_wait3A_59 = tpu.memref_squeeze %dma_wait3A_58 : memref<1x50x4x8x16xf32, #tpu.memory_space<vmem>> -> memref<50x4x8x16xf32, #tpu.memory_space<vmem>>
    %dma_wait3A_60 = arith.constant 0 : i32
    %dma_wait3A_61 = arith.constant 0 : i32
    %dma_wait3A_62 = arith.constant 0 : i32
    %dma_wait3A_63 = tpu.memref_slice %arg4[%dma_wait3A_60, %dma_wait3A_61, %dma_wait3A_53, %dma_wait3A_62, %select_n3A_52] : memref<100x4x128x8x128xf32, #tpu.memory_space<hbm>> -> memref<50x4x1x8x16xf32, #tpu.memory_space<hbm>>
    %dma_wait3A_64 = tpu.memref_squeeze %dma_wait3A_63 : memref<50x4x1x8x16xf32, #tpu.memory_space<hbm>> -> memref<50x4x8x16xf32, #tpu.memory_space<hbm>>
    %dma_wait3A_65 = arith.constant 0 : i32
    %dma_wait3A_66 = arith.constant 0 : i32
    %dma_wait3A_67 = arith.constant 0 : i32
    %dma_wait3A_68 = tpu.memref_slice %arg4[%dma_wait3A_65, %dma_wait3A_66, %dma_wait3A_53, %dma_wait3A_67, %select_n3A_52] : memref<100x4x128x8x128xf32, #tpu.memory_space<hbm>> -> memref<50x4x1x8x16xf32, #tpu.memory_space<hbm>>
    %dma_wait3A_69 = tpu.memref_squeeze %dma_wait3A_68 : memref<50x4x1x8x16xf32, #tpu.memory_space<hbm>> -> memref<50x4x8x16xf32, #tpu.memory_space<hbm>>
    %dma_wait3A_70 = arith.constant 0 : i32
    %dma_wait3A_71 = arith.constant 0 : i32
    %dma_wait3A_72 = arith.constant 0 : i32
    %dma_wait3A_73 = arith.constant 0 : i32
    %dma_wait3A_74 = tpu.memref_slice %arg8[%dma_wait3A, %dma_wait3A_70, %dma_wait3A_71, %dma_wait3A_72, %dma_wait3A_73] : memref<2x50x4x8x16xf32, #tpu.memory_space<vmem>> -> memref<1x50x4x8x16xf32, #tpu.memory_space<vmem>>
    %dma_wait3A_75 = tpu.memref_squeeze %dma_wait3A_74 : memref<1x50x4x8x16xf32, #tpu.memory_space<vmem>> -> memref<50x4x8x16xf32, #tpu.memory_space<vmem>>
    tpu.wait_dma2 semaphore(%arg11 : memref<!tpu.dma_semaphore, #tpu.memory_space<semaphore_mem>>) src(%dma_wait3A_75 : memref<50x4x8x16xf32, #tpu.memory_space<vmem>>) dst(%dma_wait3A_69 : memref<50x4x8x16xf32, #tpu.memory_space<hbm>>)
    %jit3A_76 = arith.constant 128 : i32
    %eq3A_77 = arith.constant 0 : i32
    %eq3A_78 = arith.cmpi eq, %jit3A_76, %eq3A_77 : i32
    %jit3A_79 = arith.constant 1 : i32
    %select_n3A_80 = arith.select %eq3A_78, %jit3A_79, %jit3A_76 : i32
    %rem3A_81 = arith.remsi %mul3A_2, %select_n3A_80 : i32
    %ne3A_82 = arith.constant 0 : i32
    %ne3A_83 = arith.cmpi ne, %rem3A_81, %ne3A_82 : i32
    %lt3A_84 = arith.constant 0 : i32
    %lt3A_85 = arith.cmpi slt, %rem3A_81, %lt3A_84 : i32
    %lt3A_86 = arith.constant 0 : i32
    %lt3A_87 = arith.cmpi slt, %select_n3A_80, %lt3A_86 : i32
    %ne3A_88 = arith.xori %lt3A_85, %lt3A_87 : i1
    %and3A_89 = arith.andi %ne3A_88, %ne3A_83 : i1
    %add3A_90 = arith.addi %rem3A_81, %select_n3A_80 : i32
    %select_n3A_91 = arith.select %and3A_89, %add3A_90, %rem3A_81 : i32
    %dma_wait3A_92 = arith.constant 1 : i32
    %dma_wait3A_93 = arith.constant 0 : i32
    %dma_wait3A_94 = arith.constant 0 : i32
    %dma_wait3A_95 = arith.constant 0 : i32
    %dma_wait3A_96 = arith.constant 0 : i32
    %dma_wait3A_97 = arith.constant 0 : i32
    %dma_wait3A_98 = tpu.memref_slice %arg8[%dma_wait3A_92, %dma_wait3A_94, %dma_wait3A_95, %dma_wait3A_96, %dma_wait3A_97] : memref<2x50x4x8x16xf32, #tpu.memory_space<vmem>> -> memref<1x50x4x8x16xf32, #tpu.memory_space<vmem>>
    %dma_wait3A_99 = tpu.memref_squeeze %dma_wait3A_98 : memref<1x50x4x8x16xf32, #tpu.memory_space<vmem>> -> memref<50x4x8x16xf32, #tpu.memory_space<vmem>>
    %dma_wait3A_100 = arith.constant 0 : i32
    %dma_wait3A_101 = arith.constant 0 : i32
    %dma_wait3A_102 = arith.constant 0 : i32
    %dma_wait3A_103 = tpu.memref_slice %arg4[%dma_wait3A_100, %dma_wait3A_101, %dma_wait3A_93, %dma_wait3A_102, %select_n3A_91] : memref<100x4x128x8x128xf32, #tpu.memory_space<hbm>> -> memref<50x4x1x8x16xf32, #tpu.memory_space<hbm>>
    %dma_wait3A_104 = tpu.memref_squeeze %dma_wait3A_103 : memref<50x4x1x8x16xf32, #tpu.memory_space<hbm>> -> memref<50x4x8x16xf32, #tpu.memory_space<hbm>>
    %dma_wait3A_105 = arith.constant 0 : i32
    %dma_wait3A_106 = arith.constant 0 : i32
    %dma_wait3A_107 = arith.constant 0 : i32
    %dma_wait3A_108 = tpu.memref_slice %arg4[%dma_wait3A_105, %dma_wait3A_106, %dma_wait3A_93, %dma_wait3A_107, %select_n3A_91] : memref<100x4x128x8x128xf32, #tpu.memory_space<hbm>> -> memref<50x4x1x8x16xf32, #tpu.memory_space<hbm>>
    %dma_wait3A_109 = tpu.memref_squeeze %dma_wait3A_108 : memref<50x4x1x8x16xf32, #tpu.memory_space<hbm>> -> memref<50x4x8x16xf32, #tpu.memory_space<hbm>>
    %dma_wait3A_110 = arith.constant 0 : i32
    %dma_wait3A_111 = arith.constant 0 : i32
    %dma_wait3A_112 = arith.constant 0 : i32
    %dma_wait3A_113 = arith.constant 0 : i32
    %dma_wait3A_114 = tpu.memref_slice %arg8[%dma_wait3A_92, %dma_wait3A_110, %dma_wait3A_111, %dma_wait3A_112, %dma_wait3A_113] : memref<2x50x4x8x16xf32, #tpu.memory_space<vmem>> -> memref<1x50x4x8x16xf32, #tpu.memory_space<vmem>>
    %dma_wait3A_115 = tpu.memref_squeeze %dma_wait3A_114 : memref<1x50x4x8x16xf32, #tpu.memory_space<vmem>> -> memref<50x4x8x16xf32, #tpu.memory_space<vmem>>
    tpu.wait_dma2 semaphore(%arg12 : memref<!tpu.dma_semaphore, #tpu.memory_space<semaphore_mem>>) src(%dma_wait3A_115 : memref<50x4x8x16xf32, #tpu.memory_space<vmem>>) dst(%dma_wait3A_109 : memref<50x4x8x16xf32, #tpu.memory_space<hbm>>)
    return
  }
}

</mosaic_0001>

<sc_bundles>
// kernel: kernel.3.cloned.1.call-start
scs
__scs_entry_jumppad:
0x0: {  	(pc) =	sbr.rel $0x88, $3  }
0x1: {  	(tag) =	ssettag $0x0;
	lr =	simm.s32 $0x1  }
0x2: {  	[smem:$0x3F9F] =	sst lr;
	_ =	strace $0xD0000000  }
0x3: {  	_ = 	snop  }
0x4: {  	_ = 	snop  }
0x5: {  	_ = 	snop  }
0x6: {  	_ = 	snop  }
0x7: {  	_ = 	snop  }
__scs_overlays_trampoline_lowered:
0x8: {  	[smem:$0x3FAE] =	sst s0  }
0x9: {  	[smem:$0x3FAF] =	sst s1  }
0xa: {  	[smem:$0x3FB0] =	sst s2  }
0xb: {  	[smem:$0x3FB1] =	sst s3  }
0xc: {  	[smem:$0x3FB2] =	sst s4  }
0xd: {  	[smem:$0x3FB3] =	sst s5  }
0xe: {  	[smem:$0x3FB4] =	sst s6  }
0xf: {  	[smem:$0x3FB5] =	sst s7  }
0x10: {  	[smem:$0x3FB6] =	sst s8  }
0x11: {  	[smem:$0x3FB7] =	sst s9;
	s0 =	simm.s32 @!p0 $0x0  }
0x12: {  	s1 =	sld [smem:$0x3F9D];
	s0 =	simm.s32 @p0 $0x1  }
0x13: {  	[smem:$0x3FB8] =	sst s0;
	s0 =	simm.s32 @!p1 $0x0  }
0x14: {  	s2 =	sld [smem:$0x3F9C];
	s0 =	simm.s32 @p1 $0x1  }
0x15: {  	[smem:$0x3FB9] =	sst s0;
	s0 =	simm.s32 @!p2 $0x0  }
0x16: {  	s3 =	sld [smem:$0x3FDB];
	s0 =	simm.s32 @p2 $0x1  }
0x17: {  	s4 =	simm.s32 $0x1BF5;
	[smem:$0x3FBB] =	sst s0  }
0x18: {  	s0 =	sld [smem:$0x3F9E];
	_ =	swait.ge [sflag:s4], $0x0  }
0x19: {  	s7 =	sld [smem:$0x3F9F]  }
0x1a: {  	s8 =	sadd.s32 $0xFFFFE003, lr  }
0x1b: {  	s9 =	sadd.s32 $0xFFFFFEF7, lr;
	s5 =	simm.s32 $0xFFFFFFFF;
	p2 =	slt.u32 s8, $0xFFFFF086  }
0x1c: {  	p1 =	slt.u32 s9, $0xF7A;
	s5 =	simm.s32 @!p2 $0x0  }
0x1d: {  	s5 =	simm.s32 @p1 $0x1;
	p0 =	seq.s32 s7, s2  }
0x1e: {  	s7 =	smul.u32 @!p0 $0xF7A, s2;
	p2 =	seq.s32 @!p0 s5, $0x0  }
0x1f: {  	s9 =	smul.u32 $0xF7A, s1;
	s8 =	simm.s32 @!p0 $0x1BF5;
	p2 =	por !p2, p0  }
0x20: {  	[sflag:s8] =	ssyncset.s32 @!p0 $0xFFFFF086;
	s6 =	sadd.s32 @!p0 s3, s7;
	s7 =	simm.s32 @!p0 $0x108  }
0x21: {  	s3 =	sadd.s32 s3, s9;
	s6 =	sadd.s32 @!p0 $0x88, s6;
	s7 =	simm.s32 @p2 $0x1082  }
0x22: {  	[simem:s7], [sflag:s8] =	dma.local @!p0 [hbm:s6], $0xF7A  }
0x23: {  	s9 =	sor.u32 $0xD0000000, s2;
	s6 =	simm.s32 $0x108;
	_ =	swait.ge @!p0 [sflag:s8], $0x0  }
0x24: {  	s3 =	sadd.s32 $0x88, s3;
	s6 =	simm.s32 @!p1 $0x1082;
	[sflag:s4] =	ssyncset.s32 $0xFFFFF086  }
0x25: {  	[simem:s6], [sflag:s4] =	dma.local [hbm:s3], $0xF7A  }
0x26: {  	[smem:$0x3F9F] =	sst s1;
	(tag) =	ssettag s2;
	_ =	strace s9  }
0x27: {  	s1 =	sld [smem:$0x3FAF]  }
0x28: {  	s2 =	sld [smem:$0x3FB0]  }
0x29: {  	s4 =	sld [smem:$0x3FB2]  }
0x2a: {  	p0 =	seq.s32 s5, $0x0;
	s5 =	sld [smem:$0x3FB3]  }
0x2b: {  	s6 =	sld [smem:$0x3FB4]  }
0x2c: {  	s7 =	sld [smem:$0x3FB5]  }
0x2d: {  	s3 =	simm.s32 $0x108;
	s8 =	sld [smem:$0x3FB6]  }
0x2e: {  	s3 =	simm.s32 @!p0 $0x1082;
	s9 =	sld [smem:$0x3FB7]  }
0x2f: {  	lr =	sadd.s32 s0, s3;
	s0 =	sld [smem:$0x3FAE]  }
0x30: {  	s3 =	sld [smem:$0x3FB1]  }
0x31: {  	[smem:$0x3FBA] =	sst s10  }
0x32: {  	s10 =	sld [smem:$0x3FB8];
	_ =	sdelay $0x3  }
0x33: {  	p0 =	seq.s32 s10, $0x1;
	s10 =	sld [smem:$0x3FBA];
	_ =	sdelay $0x3  }
0x34: {  	[smem:$0x3FBA] =	sst s10  }
0x35: {  	s10 =	sld [smem:$0x3FB9];
	_ =	sdelay $0x3  }
0x36: {  	p1 =	seq.s32 s10, $0x1;
	s10 =	sld [smem:$0x3FBA];
	_ =	sdelay $0x3  }
0x37: {  	[smem:$0x3FBA] =	sst s10  }
0x38: {  	s10 =	sld [smem:$0x3FBB]  }
0x39: {  	_ = 	snop;
	(pc) =	sbr.ind lr, $3  }
0x3a: {  	_ = 	snop  }
0x3b: {  	_ = 	snop  }
0x3c: {  	p2 =	seq.s32 s10, $0x1;
	s10 =	sld [smem:$0x3FBA]  }
0x3d: {  	_ =	shalt  }
0x3e: {  	_ =	shalt  }
0x3f: {  	_ =	shalt  }
0x40: {  	_ =	shalt  }
0x41: {  	_ =	shalt  }
0x42: {  	_ =	shalt  }
0x43: {  	_ =	shalt  }
0x44: {  	_ =	shalt  }
0x45: {  	_ =	shalt  }
0x46: {  	_ =	shalt  }
0x47: {  	_ =	shalt  }
0x48: {  	_ =	shalt  }
0x49: {  	_ =	shalt  }
0x4a: {  	_ =	shalt  }
0x4b: {  	_ =	shalt  }
0x4c: {  	_ =	shalt  }
0x4d: {  	_ =	shalt  }
0x4e: {  	_ =	shalt  }
0x4f: {  	_ =	shalt  }
0x50: {  	_ =	shalt  }
0x51: {  	_ =	shalt  }
0x52: {  	_ =	shalt  }
0x53: {  	_ =	shalt  }
0x54: {  	_ =	shalt  }
0x55: {  	_ =	shalt  }
0x56: {  	_ =	shalt  }
0x57: {  	_ =	shalt  }
0x58: {  	_ =	shalt  }
0x59: {  	_ =	shalt  }
0x5a: {  	_ =	shalt  }
0x5b: {  	_ =	shalt  }
0x5c: {  	_ =	shalt  }
0x5d: {  	_ =	shalt  }
0x5e: {  	_ =	shalt  }
0x5f: {  	_ =	shalt  }
0x60: {  	_ =	shalt  }
0x61: {  	_ =	shalt  }
0x62: {  	_ =	shalt  }
0x63: {  	_ =	shalt  }
0x64: {  	_ =	shalt  }
0x65: {  	_ =	shalt  }
0x66: {  	_ =	shalt  }
0x67: {  	_ =	shalt  }
0x68: {  	_ =	shalt  }
0x69: {  	_ =	shalt  }
0x6a: {  	_ =	shalt  }
0x6b: {  	_ =	shalt  }
0x6c: {  	_ =	shalt  }
0x6d: {  	_ =	shalt  }
0x6e: {  	_ =	shalt  }
0x6f: {  	_ =	shalt  }
0x70: {  	_ =	shalt  }
0x71: {  	_ =	shalt  }
0x72: {  	_ =	shalt  }
0x73: {  	_ =	shalt  }
0x74: {  	_ =	shalt  }
0x75: {  	_ =	shalt  }
0x76: {  	_ =	shalt  }
0x77: {  	_ =	shalt  }
0x78: {  	_ =	shalt  }
0x79: {  	_ =	shalt  }
0x7a: {  	_ =	shalt  }
0x7b: {  	_ =	shalt  }
0x7c: {  	_ =	shalt  }
0x7d: {  	_ =	shalt  }
0x7e: {  	_ =	shalt  }
0x7f: {  	_ =	shalt  }
0x80: {  	_ =	shalt  }
0x81: {  	_ =	shalt  }
0x82: {  	_ =	shalt  }
0x83: {  	_ =	shalt  }
0x84: {  	_ =	shalt  }
0x85: {  	_ =	shalt  }
0x86: {  	_ =	shalt  }
0x87: {  	_ =	shalt  }
.Lfunc_end0:
.L_simem_size_0:
called_computation_lowered:
.L_overlay_start_0:
0x88: {  	s2 =	sld [smem:$0x3FD9]  }
0x89: {  	s3 =	sld [smem:$0x3FFE];
	_ =	sdelay $0x1  }
0x8a: {  	s1 =	srdreg.scid  }
0x8b: {  	s0 =	sand.u32 $0x1, s1  }
0x8c: {  	s17 =	sshll.u32 s0, $0xA;
	s2 =	sadd.s32 s3, s2  }
0x8d: {  	s2 =	sadd.s32 s2, s17  }
0x8e: {  	[smem:$0x3FC6] =	sst s2  }
0x8f: {  	_ = 	snop  }
0x90: {  	s2 =	sld [smem:$0x3FD0];
	(tm) =	ssettm $0x1  }
0x91: {  	s18 =	sld [smem:$0x3FFB];
	_ =	sdelay $0x3  }
0x92: {  	_ =	strace s18  }
0x93: {  	s3 =	sld [smem:$0x3FFC];
	_ =	sdelay $0x3  }
0x94: {  	_ =	strace s3  }
0x95: {  	s3 =	sld [smem:$0x3FFD];
	_ =	sdelay $0x3  }
0x96: {  	_ =	strace s3  }
0x97: {  	_ =	strace $0x8FFFFFFF  }
0x98: {  	s19 =	sld [smem:$0x3FDB];
	_ =	sdelay $0x1  }
0x99: {  	s4 =	simm.s32 $_scs_section_size  }
0x9a: {  	s5 =	simm.s32 $_size__tile_overlayer_lowered;
	s6 =	simm.s32 $_tile_overlayer_lowered  }
0x9b: {  	s22 =	simm.s32 $0x1BFF;
	s21 =	sshll.u32 s6, $0x1;
	s3 =	sadd.s32 s4, s19  }
0x9c: {  	s7 =	simm.s32 $0x0;
	s20 =	sshll.u32 s5, $0x1;
	s5 =	sadd.s32 s21, s3  }
0x9d: {  	[timem:s7], [sflag:s22] =	dma.local [hbm:s5], s20  }
0x9e: {  	_ =	swait.ge [sflag:s22], s20  }
0x9f: {  	s4 =	ssub.s32 $0x0, s20;
	[sflag:s22] =	ssyncset.done $0x0  }
0xa0: {  	[sflag:s22] =	ssyncadd.s32 s4;
	_ =	sdelay $0x1  }
0xa1: {  	s23 =	simm.s32 $0x1B8B  }
0xa2: {  	_ =	swait.ge [sflag:s23], $0x1  }
0xa3: {  	[sflag:s23] =	ssyncset.done $0x0  }
0xa4: {  	s25 =	simm.s32 $0x1B8E;
	s24 =	sld [smem:$0x3FFE];
	[sflag:s23] =	ssyncadd.s32 $0xFFFFFFFF  }
0xa5: {  	s26 =	simm.s32 $execute0_lowered;
	[smem:$0x3FD2] =	sst s25  }
0xa6: {  	s5 =	sshll.u32 s26, $0x1;
	_ =	strace $0x80000046;
	[dreg:$0x1] =	wrdreg $0xFFFFFFFF  }
0xa7: {  	s28 =	simm.s32 $_size_execute0_lowered;
	s3 =	sadd.s32 s3, s5;
	[dreg:$0x0] =	wrdreg $0x0  }
0xa8: {  	s5 =	sshll.u32 s28, $0x1;
	[dreg:$0x2] =	wrdreg s3  }
0xa9: {  	[dreg:$0x3] =	wrdreg s5  }
0xaa: {  	[dreg:$0x4] =	wrdreg $0xC0  }
0xab: {  	_ =	task [dreg:s7], $0x5FFFF  }
0xac: {  	[dreg:$0x1] =	wrdreg $0xFFFFFFFF  }
0xad: {  	[dreg:$0x0] =	wrdreg $0x60  }
0xae: {  	[dreg:$0x2] =	wrdreg s24  }
0xaf: {  	[dreg:$0x3] =	wrdreg s2  }
0xb0: {  	[dreg:$0x4] =	wrdreg $0x9  }
0xb1: {  	_ =	task.clear_ibuf [dreg:s7], $0x5FFFF;
	_ =	strace $0x90000046  }
0xb2: {  	s29 =	simm.s32 $0x9;
	_ =	strace $0x80000048  }
0xb3: {  	_ =	swait.ge [sflag:s29], $0x1  }
0xb4: {  	[sflag:s29] =	ssyncadd.s32 $0xFFFFFFFF  }
0xb5: {  	_ =	strace $0x90000048  }
0xb6: {  	_ =	sfence  }
0xb7: {  	s30 =	sld [smem:$0x0];
	_ =	sdelay $0x2  }
0xb8: {  	s31 =	sshll.u32 s1, $0xD;
	s1 =	sshrl.u32 s1, $0x2  }
0xb9: {  	s3 =	sand.u32 $0x4000, s31;
	s1 =	sadd.s32 s1, s30  }
0xba: {  	s0 =	sor.u32 s3, s0;
	s1 =	sshll.u32 s1, $0x11  }
0xbb: {  	s0 =	sor.u32 s1, s0  }
0xbc: {  	s0 =	sadd.s32 $0x8F2B, s0  }
0xbd: {  	[sflag:s0] =	ssyncadd.remote.s32 $0x1  }
0xbe: {  	_ =	sfence.sel $0xFFFF  }
0xbf: {  	[dreg:$0x0] =	wrdreg $0xFFFFFFFF;
	(pc) =	sbr.abs _section_cstart, $3  }
0xc0: {  	[dreg:$0x1] =	wrdreg $0xFFFFFFFF  }
0xc1: {  	_ =	task.clear_ibuf [dreg:s7], $0x2FFFF;
	_ =	strace $0x9FFFFFFF  }
0xc2: {  	(tm) =	ssettm $0x7FFFFFFF  }
0xc3: {  	_ =	shalt  }
tec
execute0_lowered:
.L_overlay_start_1:
0x0: {  	(tag) =	ssettag $0x1  }
0x1: {  	v0 =	vlaneseq.u32  }
0x2: {  	s0 =	srdreg.scid;
	s1 =	rddreg [dreg:$0x0];
	v0 =	vmul.u32 $0x10, v0  }
0x3: {  	s3 =	stileid.u32;
	s2 =	rddreg [dreg:$0x1]  }
0x4: {  	s5 =	simm.s32 $0x0;
	s9 =	simm.s32 $0x10;
	s10 =	simm.s32 $0x4000;
	v1 =	vor.u32 $0x100, v0  }
0x5: {  	s11 =	simm.s32 $0x5;
	s12 =	simm.s32 $0x320;
	s13 =	simm.s32 $0x640;
	v2 =	vor.u32 $0x1, v0;
	v3 =	vor.u32 $0x101, v0;
	v4 =	vor.u32 $0x2, v0  }
0x6: {  	s14 =	simm.s32 $0xC80;
	s15 =	simm.s32 $0x2;
	s16 =	simm.s32 $0x13880;
	v5 =	vor.u32 $0x102, v0;
	v6 =	vor.u32 $0x3, v0;
	v7 =	vor.u32 $0x103, v0  }
0x7: {  	s17 =	simm.s32 $0x80;
	s18 =	simm.s32 $0x3;
	s19 =	simm.s32 $0x4;
	v8 =	vor.u32 $0x4, v0;
	v9 =	vor.u32 $0x104, v0;
	v10 =	vor.u32 $0x5, v0  }
0x8: {  	s20 =	simm.s32 $0x960;
	s21 =	simm.s32 $0x7080;
	s22 =	simm.s32 $0x1;
	v11 =	vor.u32 $0x105, v0;
	v12 =	vor.u32 $0x6, v0;
	v13 =	vor.u32 $0x106, v0  }
0x9: {  	s23 =	simm.s32 $0xD480;
	s24 =	simm.s32 $0x0;
	s0 =	sand.u32 $0x1, s0;
	v14 =	vor.u32 $0x7, v0;
	v15 =	vor.u32 $0x107, v0;
	v16 =	vor.u32 $0x8, v0  }
.Ltmp0:
0xa: {  	s3 =	sshll.u32 s3, $0xA;
	s4 =	sshll.u32 s0, $0x9;
	v17 =	vor.u32 $0x108, v0;
	v18 =	vor.u32 $0x9, v0;
	v19 =	vor.u32 $0x109, v0;
	(pc) =	sbr.rel .LBB2_1-.Ltmp0, $4  }
0xb: {  	[smem:$0x7FF] =	sst s5;
	s0 =	ssub.s32 $0x2, s0;
	s4 =	sor.u32 s4, s3;
	v20 =	vor.u32 $0xA, v0;
	v21 =	vor.u32 $0x10A, v0;
	v22 =	vor.u32 $0xB, v0  }
0xc: {  	s5 =	sadd.s32 $0xF42A00, s1;
	s6 =	sshrl.u32 s0, $0x1;
	v23 =	vor.u32 $0x10B, v0;
	v24 =	vor.u32 $0xC, v0;
	v25 =	vor.u32 $0x10C, v0;
	s3 =	sshrl.u32 s4, $0x3  }
0xd: {  	s7 =	sadd.s32 $0x19600, s1;
	v26 =	vor.u32 $0xD, v0;
	v27 =	vor.u32 $0x10D, v0;
	v28 =	vor.u32 $0xE, v0;
	s0 =	ssub.s32 s0, s6;
	s3 =	sadd.s32 s3, s1  }
0xe: {  	_ =	strace $0x80000047;
	v29 =	vor.u32 $0x10E, v0;
	v30 =	vor.u32 $0xF, v0;
	v31 =	vor.u32 $0x10F, v0;
	s8 =	smax.u32 s0, $0x1;
	s6 =	sadd.s32 $0x600, s3  }
.LBB2_21:
0xf: {  	s24 =	sadd.s32 $0x1, s24  }
0x10: {  	_ =	swait.ge [sflag:s18], $0x6400;
	p0 =	sne.s32 s24, s8  }
.Ltmp1:
0x11: {  	[sflag:s18] =	ssyncset.done $0x0;
	(pc) =	sbr.rel @!p0 .LBB2_22-.Ltmp1, $4  }
0x12: {  	[sflag:s18] =	ssyncadd.s32 $0xFFFF9C00  }
0x13: {  	_ =	swait.ge [sflag:s19], $0x6400  }
0x14: {  	[sflag:s19] =	ssyncset.done $0x0  }
0x15: {  	[sflag:s19] =	ssyncadd.s32 $0xFFFF9C00  }
.LBB2_1:
0x16: {  	s0 =	simm.s32 $0x0  }
0x17: {  	[tilespmem:s0], [sflag:$0x5] =	stream.strided.gather [hbm4b:s6+s9], $0x320, s10, s9, $0x38;
	[tilespmem:$0x19C80] =	vst v63  }
0x18: {  	_ =	swait.ge [sflag:s11], $0x320  }
0x19: {  	[sflag:s11] =	ssyncset.done $0x0  }
0x1a: {  	s0 =	simm.s32 $0x0;
	[sflag:s11] =	ssyncadd.s32 $0xFFFFFCE0  }
0x1b: {  	s1 =	simm.s32 $0x40;
	v32 =	vld [tilespmem:s0+$0x0]  }
.LBB2_2:
0x1c: {  	p0 =	sne.s32 s1, $0xC40  }
.Ltmp2:
0x1d: {  	_ = 	snop;
	(pc) =	sbr.rel @p0 .LBB2_2-.Ltmp2, $3  }
0x1e: {  	_ =	sdelay $0x1  }
0x1f: {  	[tilespmem:s0+$0x640] =	vst v32;
	s0 =	sshra.s32 s1, $0x2;
	s1 =	sadd.s32 $0x40, s1  }
0x20: {  	v32 =	vld [tilespmem:s0+$0x0]  }
0x21: {  	_ = 	snop  }
.Ltmp3:
0x22: {  	_ = 	snop;
	(pc) =	sbr.rel .LBB2_4-.Ltmp3, $3  }
0x23: {  	_ =	sdelay $0x1  }
0x24: {  	s28 =	simm.s32 $0x0;
	[tilespmem:s0+$0x640] =	vst v32  }
0x25: {  	[tilespmem:s14], [sflag:$0x1] =	stream.indirect.gather [hbm4b:s5+s12], $0x20, s13, s12, $0xb8;
	[tilespmem:$0x19C80] =	vst v63  }
.LBB2_20:
0x26: {  	p0 =	sne.s32 s25, $0x40  }
.Ltmp4:
0x27: {  	_ = 	snop;
	(pc) =	sbr.rel @!p0 .LBB2_21-.Ltmp4, $2  }
0x28: {  	_ =	sdelay $0x2  }
0x29: {  	s28 =	smov.u32 s25  }
.LBB2_4:
0x2a: {  	p0 =	seq.s32 s28, $0x3F  }
.Ltmp5:
0x2b: {  	_ = 	snop;
	(pc) =	sbr.rel @p0 .LBB2_16-.Ltmp5, $2  }
0x2c: {  	_ =	sdelay $0x2  }
0x2d: {  	s26 =	sand.u32 $0x1, s28;
	s25 =	sadd.s32 $0x1, s28  }
0x2e: {  	p0 =	seq.s32 s26, $0x1  }
.Ltmp6:
0x2f: {  	_ = 	snop;
	(pc) =	sbr.rel @!p0 .LBB2_6-.Ltmp6, $1  }
0x30: {  	_ =	sdelay $0x3  }
0x31: {  	s0 =	sadd.s32 s25, s6;
	s1 =	simm.s32 $0x0  }
0x32: {  	[tilespmem:s1], [sflag:$0x5] =	stream.strided.gather [hbm4b:s0+s9], $0x320, s10, s9, $0x38;
	[tilespmem:$0x19C80] =	vst v63  }
0x33: {  	_ =	swait.ge [sflag:s11], $0x320  }
0x34: {  	[sflag:s11] =	ssyncset.done $0x0  }
0x35: {  	s0 =	simm.s32 $0x0;
	[sflag:s11] =	ssyncadd.s32 $0xFFFFFCE0  }
0x36: {  	s1 =	simm.s32 $0x40;
	v32 =	vld [tilespmem:s0+$0x0]  }
.LBB2_14:
0x37: {  	p0 =	sne.s32 s1, $0xC40  }
.Ltmp7:
0x38: {  	_ = 	snop;
	(pc) =	sbr.rel @p0 .LBB2_14-.Ltmp7, $3  }
0x39: {  	_ =	sdelay $0x1  }
0x3a: {  	[tilespmem:s0+$0x640] =	vst v32;
	s0 =	sshra.s32 s1, $0x2;
	s1 =	sadd.s32 $0x40, s1  }
0x3b: {  	v32 =	vld [tilespmem:s0+$0x0]  }
0x3c: {  	_ = 	snop  }
.Ltmp8:
0x3d: {  	_ = 	snop;
	(pc) =	sbr.rel .LBB2_16-.Ltmp8, $3  }
0x3e: {  	_ =	sdelay $0x1  }
0x3f: {  	[tilespmem:s0+$0x640] =	vst v32  }
0x40: {  	[tilespmem:s14], [sflag:$0x1] =	stream.indirect.gather [hbm4b:s5+s12], $0x20, s13, s12, $0xb8;
	[tilespmem:$0x19C80] =	vst v63  }
.LBB2_6:
0x41: {  	s0 =	sshll.u32 s25, $0x3  }
0x42: {  	s0 =	sand.u32 $0x1F0, s0  }
0x43: {  	s0 =	sor.u32 s4, s0  }
0x44: {  	s0 =	sshrl.u32 s0, $0x3  }
0x45: {  	s0 =	sadd.s32 s0, s7  }
0x46: {  	[tilespmem:s12], [sflag:$0x5] =	stream.strided.gather [hbm4b:s0+s9], $0x320, s10, s9, $0x38;
	[tilespmem:$0x19C80] =	vst v63  }
0x47: {  	_ =	swait.ge [sflag:s11], $0x320  }
0x48: {  	[sflag:s11] =	ssyncset.done $0x0  }
0x49: {  	s0 =	simm.s32 $0x0;
	[sflag:s11] =	ssyncadd.s32 $0xFFFFFCE0  }
0x4a: {  	s1 =	simm.s32 $0x40;
	v32 =	vld [tilespmem:s0+$0x320]  }
.LBB2_7:
0x4b: {  	p0 =	sne.s32 s1, $0xC40  }
.Ltmp9:
0x4c: {  	_ = 	snop;
	(pc) =	sbr.rel @p0 .LBB2_7-.Ltmp9, $3  }
0x4d: {  	_ =	sdelay $0x1  }
0x4e: {  	[tilespmem:s0+$0x960] =	vst v32;
	s0 =	sshra.s32 s1, $0x2;
	s1 =	sadd.s32 $0x40, s1  }
0x4f: {  	v32 =	vld [tilespmem:s0+$0x320]  }
0x50: {  	_ =	sdelay $0x3  }
0x51: {  	[tilespmem:s0+$0x960] =	vst v32  }
0x52: {  	[tilespmem:s21], [sflag:$0x2] =	stream.indirect.gather [hbm4b:s5+s12], $0x20, s20, s12, $0xb8;
	[tilespmem:$0x19C80] =	vst v63  }
0x53: {  	_ =	swait.ge [sflag:s22], $0x6400  }
0x54: {  	p0 =	sgt.u32 s28, $0x1;
	[sflag:s22] =	ssyncset.done $0x0  }
0x55: {  	s0 =	simm.s32 @p0 $0x3;
	[sflag:s22] =	ssyncadd.s32 $0xFFFF9C00  }
0x56: {  	_ =	swait.ge @p0 [sflag:s0], $0x6400  }
0x57: {  	[sflag:s0] =	ssyncset.done @p0 $0x0  }
0x58: {  	s29 =	simm.s32 $0xD80;
	s31 =	simm.s32 $0x0;
	[sflag:s0] =	ssyncadd.s32 @p0 $0xFFFF9C00  }
0x59: {  	v33 =	vor.u32 s31, v0;
	v58 =	vld [tilespmem:s29+$0xFFFFFF00]  }
0x5a: {  	v35 =	vor.u32 s31, v1;
	v34 =	vld [tilespmem:s29+$0xFFFFFF10]  }
0x5b: {  	v37 =	vor.u32 s31, v2;
	v36 =	vld [tilespmem:s29+$0xFFFFFF20]  }
0x5c: {  	v39 =	vor.u32 s31, v3;
	v38 =	vld [tilespmem:s29+$0xFFFFFF30];
	_ =	sdelay $0x1  }
0x5d: {  	[tilespmem:v33+s23+$0x0] =	vst.idx.msk $0xffff, v58  }
0x5e: {  	[tilespmem:v35+s23+$0x0] =	vst.idx.msk $0xffff, v34  }
0x5f: {  	[tilespmem:v37+s23+$0x0] =	vst.idx.msk $0xffff, v36  }
0x60: {  	[tilespmem:v39+s23+$0x0] =	vst.idx.msk $0xffff, v38  }
0x61: {  	v59 =	vor.u32 s31, v4;
	v32 =	vld [tilespmem:s29+$0xFFFFFF40]  }
0x62: {  	v60 =	vor.u32 s31, v5;
	v34 =	vld [tilespmem:s29+$0xFFFFFF50]  }
0x63: {  	v61 =	vor.u32 s31, v6;
	v36 =	vld [tilespmem:s29+$0xFFFFFF60]  }
0x64: {  	v62 =	vor.u32 s31, v7;
	v38 =	vld [tilespmem:s29+$0xFFFFFF70];
	_ =	sdelay $0x1  }
0x65: {  	[tilespmem:v59+s23+$0x0] =	vst.idx.msk $0xffff, v32  }
0x66: {  	[tilespmem:v60+s23+$0x0] =	vst.idx.msk $0xffff, v34  }
0x67: {  	[tilespmem:v61+s23+$0x0] =	vst.idx.msk $0xffff, v36  }
0x68: {  	[tilespmem:v62+s23+$0x0] =	vst.idx.msk $0xffff, v38  }
0x69: {  	v63 =	vor.u32 s31, v8;
	v32 =	vld [tilespmem:s29+$0xFFFFFF80]  }
0x6a: {  	v42 =	vor.u32 s31, v9;
	v34 =	vld [tilespmem:s29+$0xFFFFFF90]  }
0x6b: {  	v43 =	vor.u32 s31, v10;
	v36 =	vld [tilespmem:s29+$0xFFFFFFA0]  }
0x6c: {  	v44 =	vor.u32 s31, v11;
	v38 =	vld [tilespmem:s29+$0xFFFFFFB0];
	_ =	sdelay $0x1  }
0x6d: {  	[tilespmem:v63+s23+$0x0] =	vst.idx.msk $0xffff, v32  }
0x6e: {  	[tilespmem:v42+s23+$0x0] =	vst.idx.msk $0xffff, v34  }
0x6f: {  	[tilespmem:v43+s23+$0x0] =	vst.idx.msk $0xffff, v36  }
0x70: {  	[tilespmem:v44+s23+$0x0] =	vst.idx.msk $0xffff, v38  }
0x71: {  	v45 =	vor.u32 s31, v12;
	v32 =	vld [tilespmem:s29+$0xFFFFFFC0]  }
0x72: {  	v46 =	vor.u32 s31, v13;
	v34 =	vld [tilespmem:s29+$0xFFFFFFD0]  }
0x73: {  	v47 =	vor.u32 s31, v14;
	v36 =	vld [tilespmem:s29+$0xFFFFFFE0]  }
0x74: {  	v48 =	vor.u32 s31, v15;
	v38 =	vld [tilespmem:s29+$0xFFFFFFF0];
	_ =	sdelay $0x1  }
0x75: {  	[tilespmem:v45+s23+$0x0] =	vst.idx.msk $0xffff, v32  }
0x76: {  	[tilespmem:v46+s23+$0x0] =	vst.idx.msk $0xffff, v34  }
0x77: {  	[tilespmem:v47+s23+$0x0] =	vst.idx.msk $0xffff, v36  }
0x78: {  	[tilespmem:v48+s23+$0x0] =	vst.idx.msk $0xffff, v38  }
0x79: {  	v49 =	vor.u32 s31, v16;
	v32 =	vld [tilespmem:s29+$0x0]  }
0x7a: {  	v50 =	vor.u32 s31, v17;
	v34 =	vld [tilespmem:s29+$0x10]  }
0x7b: {  	v51 =	vor.u32 s31, v18;
	v36 =	vld [tilespmem:s29+$0x20]  }
0x7c: {  	v52 =	vor.u32 s31, v19;
	v38 =	vld [tilespmem:s29+$0x30];
	_ =	sdelay $0x1  }
0x7d: {  	[tilespmem:v49+s23+$0x0] =	vst.idx.msk $0xffff, v32  }
0x7e: {  	[tilespmem:v50+s23+$0x0] =	vst.idx.msk $0xffff, v34  }
0x7f: {  	[tilespmem:v51+s23+$0x0] =	vst.idx.msk $0xffff, v36  }
0x80: {  	[tilespmem:v52+s23+$0x0] =	vst.idx.msk $0xffff, v38  }
0x81: {  	v53 =	vor.u32 s31, v20;
	v32 =	vld [tilespmem:s29+$0x40]  }
0x82: {  	v54 =	vor.u32 s31, v21;
	v34 =	vld [tilespmem:s29+$0x50]  }
0x83: {  	v55 =	vor.u32 s31, v22;
	v36 =	vld [tilespmem:s29+$0x60]  }
0x84: {  	v56 =	vor.u32 s31, v23;
	v38 =	vld [tilespmem:s29+$0x70];
	_ =	sdelay $0x1  }
0x85: {  	[tilespmem:v53+s23+$0x0] =	vst.idx.msk $0xffff, v32  }
0x86: {  	[tilespmem:v54+s23+$0x0] =	vst.idx.msk $0xffff, v34  }
0x87: {  	[tilespmem:v55+s23+$0x0] =	vst.idx.msk $0xffff, v36  }
0x88: {  	[tilespmem:v56+s23+$0x0] =	vst.idx.msk $0xffff, v38  }
0x89: {  	v57 =	vor.u32 s31, v24;
	v32 =	vld [tilespmem:s29+$0x80]  }
0x8a: {  	v58 =	vor.u32 s31, v25;
	v34 =	vld [tilespmem:s29+$0x90]  }
0x8b: {  	v59 =	vor.u32 s31, v26;
	v36 =	vld [tilespmem:s29+$0xA0]  }
0x8c: {  	v60 =	vor.u32 s31, v27;
	v38 =	vld [tilespmem:s29+$0xB0];
	_ =	sdelay $0x1  }
0x8d: {  	[tilespmem:v57+s23+$0x0] =	vst.idx.msk $0xffff, v32  }
0x8e: {  	[tilespmem:v58+s23+$0x0] =	vst.idx.msk $0xffff, v34  }
0x8f: {  	[tilespmem:v59+s23+$0x0] =	vst.idx.msk $0xffff, v36  }
0x90: {  	[tilespmem:v60+s23+$0x0] =	vst.idx.msk $0xffff, v38  }
0x91: {  	v61 =	vor.u32 s31, v28;
	v33 =	vld [tilespmem:s29+$0xC0];
	_ =	sdelay $0x1  }
0x92: {  	v62 =	vor.u32 s31, v29;
	v35 =	vld [tilespmem:s29+$0xD0]  }
0x93: {  	v63 =	vor.u32 s31, v30;
	v37 =	vld [tilespmem:s29+$0xE0];
	_ =	sdelay $0x1  }
0x94: {  	v32 =	vld [tilespmem:s29+$0xF0];
	[tilespmem:v61+s23+$0x0] =	vst.idx.msk $0xffff, v33;
	v33 =	vor.u32 s31, v31;
	_ =	sdelay $0x1  }
0x95: {  	[tilespmem:v62+s23+$0x0] =	vst.idx.msk $0xffff, v35  }
0x96: {  	s30 =	simm.s32 $0x1;
	s3 =	simm.s32 $0x2;
	[tilespmem:v63+s23+$0x0] =	vst.idx.msk $0xffff, v37  }
.LBB2_9:
0x97: {  	s1 =	sshll.u32 s30, $0x9  }
0x98: {  	[tilespmem:v33+s23+$0x0] =	vst.idx.msk $0xffff, v32;
	s29 =	sadd.s32 $0x200, s29;
	s30 =	smov.u32 s3;
	s31 =	sadd.s32 $0x1, s3  }
0x99: {  	p0 =	sne.s32 s3, $0x31;
	v32 =	vld [tilespmem:s29+$0xFFFFFF00];
	v33 =	vor.u32 s1, v0  }
0x9a: {  	v35 =	vor.u32 s1, v1;
	v34 =	vld [tilespmem:s29+$0xFFFFFF10]  }
0x9b: {  	v37 =	vor.u32 s1, v2;
	v36 =	vld [tilespmem:s29+$0xFFFFFF20]  }
0x9c: {  	v39 =	vor.u32 s1, v3;
	v38 =	vld [tilespmem:s29+$0xFFFFFF30];
	_ =	sdelay $0x1  }
0x9d: {  	[tilespmem:v33+s23+$0x0] =	vst.idx.msk $0xffff, v32  }
0x9e: {  	[tilespmem:v35+s23+$0x0] =	vst.idx.msk $0xffff, v34  }
0x9f: {  	[tilespmem:v37+s23+$0x0] =	vst.idx.msk $0xffff, v36  }
0xa0: {  	[tilespmem:v39+s23+$0x0] =	vst.idx.msk $0xffff, v38  }
0xa1: {  	v33 =	vor.u32 s1, v4;
	v32 =	vld [tilespmem:s29+$0xFFFFFF40]  }
0xa2: {  	v35 =	vor.u32 s1, v5;
	v34 =	vld [tilespmem:s29+$0xFFFFFF50]  }
0xa3: {  	v37 =	vor.u32 s1, v6;
	v36 =	vld [tilespmem:s29+$0xFFFFFF60]  }
0xa4: {  	v39 =	vor.u32 s1, v7;
	v38 =	vld [tilespmem:s29+$0xFFFFFF70];
	_ =	sdelay $0x1  }
0xa5: {  	[tilespmem:v33+s23+$0x0] =	vst.idx.msk $0xffff, v32  }
0xa6: {  	[tilespmem:v35+s23+$0x0] =	vst.idx.msk $0xffff, v34  }
0xa7: {  	[tilespmem:v37+s23+$0x0] =	vst.idx.msk $0xffff, v36  }
0xa8: {  	[tilespmem:v39+s23+$0x0] =	vst.idx.msk $0xffff, v38  }
0xa9: {  	v33 =	vor.u32 s1, v8;
	v32 =	vld [tilespmem:s29+$0xFFFFFF80]  }
0xaa: {  	v35 =	vor.u32 s1, v9;
	v34 =	vld [tilespmem:s29+$0xFFFFFF90]  }
0xab: {  	v37 =	vor.u32 s1, v10;
	v36 =	vld [tilespmem:s29+$0xFFFFFFA0]  }
0xac: {  	v39 =	vor.u32 s1, v11;
	v38 =	vld [tilespmem:s29+$0xFFFFFFB0];
	_ =	sdelay $0x1  }
0xad: {  	[tilespmem:v33+s23+$0x0] =	vst.idx.msk $0xffff, v32  }
0xae: {  	[tilespmem:v35+s23+$0x0] =	vst.idx.msk $0xffff, v34  }
0xaf: {  	[tilespmem:v37+s23+$0x0] =	vst.idx.msk $0xffff, v36  }
0xb0: {  	[tilespmem:v39+s23+$0x0] =	vst.idx.msk $0xffff, v38  }
0xb1: {  	v33 =	vor.u32 s1, v12;
	v32 =	vld [tilespmem:s29+$0xFFFFFFC0]  }
0xb2: {  	v35 =	vor.u32 s1, v13;
	v34 =	vld [tilespmem:s29+$0xFFFFFFD0]  }
0xb3: {  	v37 =	vor.u32 s1, v14;
	v36 =	vld [tilespmem:s29+$0xFFFFFFE0]  }
0xb4: {  	v39 =	vor.u32 s1, v15;
	v38 =	vld [tilespmem:s29+$0xFFFFFFF0];
	_ =	sdelay $0x1  }
0xb5: {  	[tilespmem:v33+s23+$0x0] =	vst.idx.msk $0xffff, v32  }
0xb6: {  	[tilespmem:v35+s23+$0x0] =	vst.idx.msk $0xffff, v34  }
0xb7: {  	[tilespmem:v37+s23+$0x0] =	vst.idx.msk $0xffff, v36  }
0xb8: {  	[tilespmem:v39+s23+$0x0] =	vst.idx.msk $0xffff, v38  }
0xb9: {  	v33 =	vor.u32 s1, v16;
	v32 =	vld [tilespmem:s29+$0x0]  }
0xba: {  	v35 =	vor.u32 s1, v17;
	v34 =	vld [tilespmem:s29+$0x10]  }
0xbb: {  	v37 =	vor.u32 s1, v18;
	v36 =	vld [tilespmem:s29+$0x20]  }
0xbc: {  	v39 =	vor.u32 s1, v19;
	v38 =	vld [tilespmem:s29+$0x30];
	_ =	sdelay $0x1  }
0xbd: {  	[tilespmem:v33+s23+$0x0] =	vst.idx.msk $0xffff, v32  }
0xbe: {  	[tilespmem:v35+s23+$0x0] =	vst.idx.msk $0xffff, v34  }
0xbf: {  	[tilespmem:v37+s23+$0x0] =	vst.idx.msk $0xffff, v36  }
0xc0: {  	[tilespmem:v39+s23+$0x0] =	vst.idx.msk $0xffff, v38  }
0xc1: {  	v33 =	vor.u32 s1, v20;
	v32 =	vld [tilespmem:s29+$0x40]  }
0xc2: {  	v35 =	vor.u32 s1, v21;
	v34 =	vld [tilespmem:s29+$0x50]  }
0xc3: {  	v37 =	vor.u32 s1, v22;
	v36 =	vld [tilespmem:s29+$0x60]  }
0xc4: {  	v39 =	vor.u32 s1, v23;
	v38 =	vld [tilespmem:s29+$0x70];
	_ =	sdelay $0x1  }
0xc5: {  	[tilespmem:v33+s23+$0x0] =	vst.idx.msk $0xffff, v32  }
0xc6: {  	[tilespmem:v35+s23+$0x0] =	vst.idx.msk $0xffff, v34  }
0xc7: {  	[tilespmem:v37+s23+$0x0] =	vst.idx.msk $0xffff, v36  }
0xc8: {  	[tilespmem:v39+s23+$0x0] =	vst.idx.msk $0xffff, v38  }
0xc9: {  	v33 =	vor.u32 s1, v24;
	v32 =	vld [tilespmem:s29+$0x80]  }
0xca: {  	v35 =	vor.u32 s1, v25;
	v34 =	vld [tilespmem:s29+$0x90]  }
0xcb: {  	v37 =	vor.u32 s1, v26;
	v36 =	vld [tilespmem:s29+$0xA0]  }
0xcc: {  	v39 =	vor.u32 s1, v27;
	v38 =	vld [tilespmem:s29+$0xB0];
	_ =	sdelay $0x1  }
0xcd: {  	[tilespmem:v33+s23+$0x0] =	vst.idx.msk $0xffff, v32  }
0xce: {  	[tilespmem:v35+s23+$0x0] =	vst.idx.msk $0xffff, v34  }
0xcf: {  	[tilespmem:v37+s23+$0x0] =	vst.idx.msk $0xffff, v36  }
0xd0: {  	[tilespmem:v39+s23+$0x0] =	vst.idx.msk $0xffff, v38  }
0xd1: {  	v35 =	vor.u32 s1, v28;
	v34 =	vld [tilespmem:s29+$0xC0]  }
0xd2: {  	v37 =	vor.u32 s1, v29;
	v36 =	vld [tilespmem:s29+$0xD0]  }
0xd3: {  	v39 =	vor.u32 s1, v30;
	v38 =	vld [tilespmem:s29+$0xE0]  }
.Ltmp10:
0xd4: {  	v33 =	vor.u32 s1, v31;
	v32 =	vld [tilespmem:s29+$0xF0];
	(pc) =	sbr.rel @p0 .LBB2_9-.Ltmp10, $4  }
0xd5: {  	_ = 	snop  }
0xd6: {  	[tilespmem:v35+s23+$0x0] =	vst.idx.msk $0xffff, v34  }
0xd7: {  	[tilespmem:v37+s23+$0x0] =	vst.idx.msk $0xffff, v36  }
0xd8: {  	s3 =	smov.u32 s31;
	[tilespmem:v39+s23+$0x0] =	vst.idx.msk $0xffff, v38  }
0xd9: {  	_ =	sdelay $0x3  }
0xda: {  	s0 =	sshll.u32 s30, $0x9;
	[tilespmem:v33+s23+$0x0] =	vst.idx.msk $0xffff, v32;
	s1 =	sadd.s32 $0x200, s29  }
0xdb: {  	v32 =	vld [tilespmem:s1+$0xFFFFFF00];
	v57 =	vor.u32 s0, v0  }
0xdc: {  	v34 =	vld [tilespmem:s1+$0xFFFFFF10];
	v35 =	vor.u32 s0, v1  }
0xdd: {  	v36 =	vld [tilespmem:s1+$0xFFFFFF20];
	v37 =	vor.u32 s0, v2  }
0xde: {  	v38 =	vld [tilespmem:s1+$0xFFFFFF30];
	v39 =	vor.u32 s0, v3;
	_ =	sdelay $0x1  }
0xdf: {  	[tilespmem:v57+s23+$0x0] =	vst.idx.msk $0xffff, v32  }
0xe0: {  	[tilespmem:v35+s23+$0x0] =	vst.idx.msk $0xffff, v34  }
0xe1: {  	[tilespmem:v37+s23+$0x0] =	vst.idx.msk $0xffff, v36  }
0xe2: {  	[tilespmem:v39+s23+$0x0] =	vst.idx.msk $0xffff, v38  }
0xe3: {  	v58 =	vor.u32 s0, v4;
	v32 =	vld [tilespmem:s1+$0xFFFFFF40]  }
0xe4: {  	v59 =	vor.u32 s0, v5;
	v34 =	vld [tilespmem:s1+$0xFFFFFF50]  }
0xe5: {  	v60 =	vor.u32 s0, v6;
	v36 =	vld [tilespmem:s1+$0xFFFFFF60]  }
0xe6: {  	v61 =	vor.u32 s0, v7;
	v38 =	vld [tilespmem:s1+$0xFFFFFF70];
	_ =	sdelay $0x1  }
0xe7: {  	[tilespmem:v58+s23+$0x0] =	vst.idx.msk $0xffff, v32  }
0xe8: {  	[tilespmem:v59+s23+$0x0] =	vst.idx.msk $0xffff, v34  }
0xe9: {  	[tilespmem:v60+s23+$0x0] =	vst.idx.msk $0xffff, v36  }
0xea: {  	[tilespmem:v61+s23+$0x0] =	vst.idx.msk $0xffff, v38  }
0xeb: {  	v62 =	vor.u32 s0, v8;
	v32 =	vld [tilespmem:s1+$0xFFFFFF80]  }
0xec: {  	v63 =	vor.u32 s0, v9;
	v34 =	vld [tilespmem:s1+$0xFFFFFF90]  }
0xed: {  	v42 =	vor.u32 s0, v10;
	v36 =	vld [tilespmem:s1+$0xFFFFFFA0]  }
0xee: {  	v43 =	vor.u32 s0, v11;
	v38 =	vld [tilespmem:s1+$0xFFFFFFB0];
	_ =	sdelay $0x1  }
0xef: {  	[tilespmem:v62+s23+$0x0] =	vst.idx.msk $0xffff, v32  }
0xf0: {  	[tilespmem:v63+s23+$0x0] =	vst.idx.msk $0xffff, v34  }
0xf1: {  	[tilespmem:v42+s23+$0x0] =	vst.idx.msk $0xffff, v36  }
0xf2: {  	[tilespmem:v43+s23+$0x0] =	vst.idx.msk $0xffff, v38  }
0xf3: {  	v44 =	vor.u32 s0, v12;
	v32 =	vld [tilespmem:s1+$0xFFFFFFC0]  }
0xf4: {  	v45 =	vor.u32 s0, v13;
	v34 =	vld [tilespmem:s1+$0xFFFFFFD0]  }
0xf5: {  	v46 =	vor.u32 s0, v14;
	v36 =	vld [tilespmem:s1+$0xFFFFFFE0]  }
0xf6: {  	v47 =	vor.u32 s0, v15;
	v38 =	vld [tilespmem:s1+$0xFFFFFFF0];
	_ =	sdelay $0x1  }
0xf7: {  	[tilespmem:v44+s23+$0x0] =	vst.idx.msk $0xffff, v32  }
0xf8: {  	[tilespmem:v45+s23+$0x0] =	vst.idx.msk $0xffff, v34  }
0xf9: {  	[tilespmem:v46+s23+$0x0] =	vst.idx.msk $0xffff, v36  }
0xfa: {  	[tilespmem:v47+s23+$0x0] =	vst.idx.msk $0xffff, v38  }
0xfb: {  	v48 =	vor.u32 s0, v16;
	v32 =	vld [tilespmem:s1+$0x0]  }
0xfc: {  	v49 =	vor.u32 s0, v17;
	v34 =	vld [tilespmem:s1+$0x10]  }
0xfd: {  	v50 =	vor.u32 s0, v18;
	v36 =	vld [tilespmem:s1+$0x20]  }
0xfe: {  	v51 =	vor.u32 s0, v19;
	v38 =	vld [tilespmem:s1+$0x30];
	_ =	sdelay $0x1  }
0xff: {  	[tilespmem:v48+s23+$0x0] =	vst.idx.msk $0xffff, v32  }
0x100: {  	[tilespmem:v49+s23+$0x0] =	vst.idx.msk $0xffff, v34  }
0x101: {  	[tilespmem:v50+s23+$0x0] =	vst.idx.msk $0xffff, v36  }
0x102: {  	[tilespmem:v51+s23+$0x0] =	vst.idx.msk $0xffff, v38  }
0x103: {  	v52 =	vor.u32 s0, v20;
	v32 =	vld [tilespmem:s1+$0x40]  }
0x104: {  	v53 =	vor.u32 s0, v21;
	v34 =	vld [tilespmem:s1+$0x50]  }
0x105: {  	v54 =	vor.u32 s0, v22;
	v36 =	vld [tilespmem:s1+$0x60]  }
0x106: {  	v55 =	vor.u32 s0, v23;
	v38 =	vld [tilespmem:s1+$0x70];
	_ =	sdelay $0x1  }
0x107: {  	[tilespmem:v52+s23+$0x0] =	vst.idx.msk $0xffff, v32  }
0x108: {  	[tilespmem:v53+s23+$0x0] =	vst.idx.msk $0xffff, v34  }
0x109: {  	[tilespmem:v54+s23+$0x0] =	vst.idx.msk $0xffff, v36  }
0x10a: {  	[tilespmem:v55+s23+$0x0] =	vst.idx.msk $0xffff, v38  }
0x10b: {  	v56 =	vor.u32 s0, v24;
	v32 =	vld [tilespmem:s1+$0x80]  }
0x10c: {  	v57 =	vor.u32 s0, v25;
	v34 =	vld [tilespmem:s1+$0x90]  }
0x10d: {  	v58 =	vor.u32 s0, v26;
	v36 =	vld [tilespmem:s1+$0xA0]  }
0x10e: {  	v59 =	vor.u32 s0, v27;
	v38 =	vld [tilespmem:s1+$0xB0];
	_ =	sdelay $0x1  }
0x10f: {  	[tilespmem:v56+s23+$0x0] =	vst.idx.msk $0xffff, v32  }
0x110: {  	[tilespmem:v57+s23+$0x0] =	vst.idx.msk $0xffff, v34  }
0x111: {  	[tilespmem:v58+s23+$0x0] =	vst.idx.msk $0xffff, v36  }
0x112: {  	[tilespmem:v59+s23+$0x0] =	vst.idx.msk $0xffff, v38  }
0x113: {  	v60 =	vor.u32 s0, v28;
	v32 =	vld [tilespmem:s1+$0xC0]  }
0x114: {  	v61 =	vor.u32 s0, v29;
	v34 =	vld [tilespmem:s1+$0xD0]  }
0x115: {  	s3 =	sshll.u32 s28, $0x3;
	v62 =	vor.u32 s0, v30;
	v36 =	vld [tilespmem:s1+$0xE0]  }
0x116: {  	s29 =	sadd.s32 s4, s3;
	v63 =	vor.u32 s0, v31;
	v38 =	vld [tilespmem:s1+$0xF0]  }
0x117: {  	s0 =	sshll.u32 s29, $0x3  }
0x118: {  	s30 =	sand.u32 $0x70, s3;
	s0 =	sand.u32 $0x1FC00, s0;
	[tilespmem:v60+s23+$0x0] =	vst.idx.msk $0xffff, v32  }
0x119: {  	s0 =	sor.u32 s30, s0;
	[tilespmem:v61+s23+$0x0] =	vst.idx.msk $0xffff, v34  }
0x11a: {  	s0 =	sshrl.u32 s0, $0x3;
	[tilespmem:v62+s23+$0x0] =	vst.idx.msk $0xffff, v36  }
0x11b: {  	s31 =	simm.s32 $0xD480;
	s0 =	sadd.s32 s2, s0;
	s1 =	simm.s32 $0x200;
	[tilespmem:v63+s23+$0x0] =	vst.idx.msk $0xffff, v38  }
0x11c: {  	[hbm4b:s0+s9] =	stream.strided.scatter [tilespmem:s31], [sflag:$0x3], $0x80, s17, s9, $0x38;
	[tilespmem:$0x19C80] =	vst v63  }
.LBB2_11:
0x11d: {  	p0 =	sne.s32 s1, $0x18E00  }
.Ltmp11:
0x11e: {  	_ = 	snop;
	(pc) =	sbr.rel @p0 .LBB2_11-.Ltmp11, $4  }
0x11f: {  	_ = 	snop  }
0x120: {  	s3 =	sshra.s32 s1, $0x2;
	s1 =	sadd.s32 $0x200, s1  }
0x121: {  	s0 =	sadd.s32 $0x4000, s0;
	s3 =	sadd.s32 $0xD480, s3  }
0x122: {  	[hbm4b:s0+s9] =	stream.strided.scatter [tilespmem:s3], [sflag:$0x3], $0x80, s17, s9, $0x38;
	[tilespmem:$0x19C80] =	vst v63  }
0x123: {  	p0 =	seq.s32 s26, $0x0  }
.Ltmp12:
0x124: {  	_ = 	snop;
	(pc) =	sbr.rel @p0 .LBB2_20-.Ltmp12, $1  }
0x125: {  	_ =	sdelay $0x3  }
.LBB2_16:
0x126: {  	_ =	swait.ge [sflag:s15], $0x6400  }
0x127: {  	p0 =	slt.u32 s28, $0x2;
	[sflag:s15] =	ssyncset.done $0x0  }
0x128: {  	s0 =	simm.s32 @!p0 $0x4;
	[sflag:s15] =	ssyncadd.s32 $0xFFFF9C00  }
0x129: {  	_ =	swait.ge @!p0 [sflag:s0], $0x6400  }
0x12a: {  	[sflag:s0] =	ssyncset.done @!p0 $0x0  }
0x12b: {  	s1 =	simm.s32 $0x0;
	s3 =	simm.s32 $0x0;
	[sflag:s0] =	ssyncadd.s32 @!p0 $0xFFFF9C00  }
0x12c: {  	v33 =	vor.u32 s3, v0;
	v32 =	vld [tilespmem:s1+$0x7080]  }
0x12d: {  	v35 =	vor.u32 s3, v1;
	v34 =	vld [tilespmem:s1+$0x7090]  }
0x12e: {  	v36 =	vor.u32 s3, v2;
	v37 =	vld [tilespmem:s1+$0x70A0]  }
0x12f: {  	v38 =	vor.u32 s3, v3;
	v39 =	vld [tilespmem:s1+$0x70B0];
	_ =	sdelay $0x1  }
0x130: {  	[tilespmem:v33+s16+$0x0] =	vst.idx.msk $0xffff, v32  }
0x131: {  	[tilespmem:v35+s16+$0x0] =	vst.idx.msk $0xffff, v34  }
0x132: {  	[tilespmem:v36+s16+$0x0] =	vst.idx.msk $0xffff, v37  }
0x133: {  	[tilespmem:v38+s16+$0x0] =	vst.idx.msk $0xffff, v39  }
0x134: {  	v59 =	vor.u32 s3, v4;
	v32 =	vld [tilespmem:s1+$0x70C0]  }
0x135: {  	v60 =	vor.u32 s3, v5;
	v34 =	vld [tilespmem:s1+$0x70D0]  }
0x136: {  	v61 =	vor.u32 s3, v6;
	v36 =	vld [tilespmem:s1+$0x70E0]  }
0x137: {  	v62 =	vor.u32 s3, v7;
	v39 =	vld [tilespmem:s1+$0x70F0];
	_ =	sdelay $0x1  }
0x138: {  	[tilespmem:v59+s16+$0x0] =	vst.idx.msk $0xffff, v32  }
0x139: {  	[tilespmem:v60+s16+$0x0] =	vst.idx.msk $0xffff, v34  }
0x13a: {  	[tilespmem:v61+s16+$0x0] =	vst.idx.msk $0xffff, v36  }
0x13b: {  	[tilespmem:v62+s16+$0x0] =	vst.idx.msk $0xffff, v39  }
0x13c: {  	v63 =	vor.u32 s3, v8;
	v32 =	vld [tilespmem:s1+$0x7100]  }
0x13d: {  	v42 =	vor.u32 s3, v9;
	v34 =	vld [tilespmem:s1+$0x7110]  }
0x13e: {  	v43 =	vor.u32 s3, v10;
	v36 =	vld [tilespmem:s1+$0x7120]  }
0x13f: {  	v44 =	vor.u32 s3, v11;
	v38 =	vld [tilespmem:s1+$0x7130];
	_ =	sdelay $0x1  }
0x140: {  	[tilespmem:v63+s16+$0x0] =	vst.idx.msk $0xffff, v32  }
0x141: {  	[tilespmem:v42+s16+$0x0] =	vst.idx.msk $0xffff, v34  }
0x142: {  	[tilespmem:v43+s16+$0x0] =	vst.idx.msk $0xffff, v36  }
0x143: {  	[tilespmem:v44+s16+$0x0] =	vst.idx.msk $0xffff, v38  }
0x144: {  	v45 =	vor.u32 s3, v12;
	v32 =	vld [tilespmem:s1+$0x7140]  }
0x145: {  	v46 =	vor.u32 s3, v13;
	v34 =	vld [tilespmem:s1+$0x7150]  }
0x146: {  	v47 =	vor.u32 s3, v14;
	v37 =	vld [tilespmem:s1+$0x7160]  }
0x147: {  	v48 =	vor.u32 s3, v15;
	v39 =	vld [tilespmem:s1+$0x7170];
	_ =	sdelay $0x1  }
0x148: {  	[tilespmem:v45+s16+$0x0] =	vst.idx.msk $0xffff, v32  }
0x149: {  	[tilespmem:v46+s16+$0x0] =	vst.idx.msk $0xffff, v34  }
0x14a: {  	[tilespmem:v47+s16+$0x0] =	vst.idx.msk $0xffff, v37  }
0x14b: {  	[tilespmem:v48+s16+$0x0] =	vst.idx.msk $0xffff, v39  }
0x14c: {  	v49 =	vor.u32 s3, v16;
	v33 =	vld [tilespmem:s1+$0x7180]  }
0x14d: {  	v50 =	vor.u32 s3, v17;
	v35 =	vld [tilespmem:s1+$0x7190]  }
0x14e: {  	v51 =	vor.u32 s3, v18;
	v37 =	vld [tilespmem:s1+$0x71A0]  }
0x14f: {  	v52 =	vor.u32 s3, v19;
	v39 =	vld [tilespmem:s1+$0x71B0];
	_ =	sdelay $0x1  }
0x150: {  	[tilespmem:v49+s16+$0x0] =	vst.idx.msk $0xffff, v33  }
0x151: {  	[tilespmem:v50+s16+$0x0] =	vst.idx.msk $0xffff, v35  }
0x152: {  	[tilespmem:v51+s16+$0x0] =	vst.idx.msk $0xffff, v37  }
0x153: {  	[tilespmem:v52+s16+$0x0] =	vst.idx.msk $0xffff, v39  }
0x154: {  	v53 =	vor.u32 s3, v20;
	v32 =	vld [tilespmem:s1+$0x71C0]  }
0x155: {  	v54 =	vor.u32 s3, v21;
	v34 =	vld [tilespmem:s1+$0x71D0]  }
0x156: {  	v55 =	vor.u32 s3, v22;
	v36 =	vld [tilespmem:s1+$0x71E0]  }
0x157: {  	v56 =	vor.u32 s3, v23;
	v38 =	vld [tilespmem:s1+$0x71F0];
	_ =	sdelay $0x1  }
0x158: {  	[tilespmem:v53+s16+$0x0] =	vst.idx.msk $0xffff, v32  }
0x159: {  	[tilespmem:v54+s16+$0x0] =	vst.idx.msk $0xffff, v34  }
0x15a: {  	[tilespmem:v55+s16+$0x0] =	vst.idx.msk $0xffff, v36  }
0x15b: {  	[tilespmem:v56+s16+$0x0] =	vst.idx.msk $0xffff, v38  }
0x15c: {  	v57 =	vor.u32 s3, v24;
	v32 =	vld [tilespmem:s1+$0x7200]  }
0x15d: {  	v58 =	vor.u32 s3, v25;
	v34 =	vld [tilespmem:s1+$0x7210]  }
0x15e: {  	v59 =	vor.u32 s3, v26;
	v36 =	vld [tilespmem:s1+$0x7220]  }
0x15f: {  	v60 =	vor.u32 s3, v27;
	v38 =	vld [tilespmem:s1+$0x7230];
	_ =	sdelay $0x1  }
0x160: {  	[tilespmem:v57+s16+$0x0] =	vst.idx.msk $0xffff, v32  }
0x161: {  	[tilespmem:v58+s16+$0x0] =	vst.idx.msk $0xffff, v34  }
0x162: {  	[tilespmem:v59+s16+$0x0] =	vst.idx.msk $0xffff, v36  }
0x163: {  	[tilespmem:v60+s16+$0x0] =	vst.idx.msk $0xffff, v38  }
0x164: {  	v61 =	vor.u32 s3, v28;
	v33 =	vld [tilespmem:s1+$0x7240];
	_ =	sdelay $0x1  }
0x165: {  	v62 =	vor.u32 s3, v29;
	v35 =	vld [tilespmem:s1+$0x7250]  }
0x166: {  	v63 =	vor.u32 s3, v30;
	v37 =	vld [tilespmem:s1+$0x7260];
	_ =	sdelay $0x1  }
0x167: {  	v32 =	vld [tilespmem:s1+$0x7270];
	[tilespmem:v61+s16+$0x0] =	vst.idx.msk $0xffff, v33;
	v33 =	vor.u32 s3, v31;
	_ =	sdelay $0x1  }
0x168: {  	[tilespmem:v62+s16+$0x0] =	vst.idx.msk $0xffff, v35  }
0x169: {  	s29 =	simm.s32 $0x200;
	s31 =	simm.s32 $0x1000;
	s30 =	simm.s32 $0x1;
	[tilespmem:v63+s16+$0x0] =	vst.idx.msk $0xffff, v37  }
.LBB2_17:
0x16a: {  	s3 =	smov.u32 s31  }
0x16b: {  	s1 =	sshra.s32 s31, $0x2;
	s0 =	sshll.u32 s30, $0x9;
	[tilespmem:v33+s16+$0x0] =	vst.idx.msk $0xffff, v32;
	s3 =	sadd.s32 $0x800, s31  }
0x16c: {  	p0 =	sne.s32 s31, $0x18800;
	v33 =	vor.u32 s0, v0;
	v34 =	vor.u32 s0, v2;
	v35 =	vor.u32 s0, v3;
	v32 =	vld [tilespmem:s29+$0x7080]  }
0x16d: {  	v37 =	vor.u32 s0, v1;
	v38 =	vor.u32 s0, v7;
	v39 =	vor.u32 s0, v14;
	v36 =	vld [tilespmem:s29+$0x7090]  }
0x16e: {  	v41 =	vor.u32 s0, v15;
	v42 =	vor.u32 s0, v16;
	v43 =	vor.u32 s0, v17;
	v40 =	vld [tilespmem:s29+$0x70A0]  }
0x16f: {  	v45 =	vor.u32 s0, v18;
	v46 =	vor.u32 s0, v19;
	v44 =	vld [tilespmem:s29+$0x70B0];
	_ =	sdelay $0x1  }
0x170: {  	[tilespmem:v33+s16+$0x0] =	vst.idx.msk $0xffff, v32  }
0x171: {  	[tilespmem:v37+s16+$0x0] =	vst.idx.msk $0xffff, v36  }
0x172: {  	[tilespmem:v34+s16+$0x0] =	vst.idx.msk $0xffff, v40  }
0x173: {  	[tilespmem:v35+s16+$0x0] =	vst.idx.msk $0xffff, v44  }
0x174: {  	v33 =	vor.u32 s0, v4;
	v32 =	vld [tilespmem:s29+$0x70C0]  }
0x175: {  	v35 =	vor.u32 s0, v5;
	v34 =	vld [tilespmem:s29+$0x70D0]  }
0x176: {  	v37 =	vor.u32 s0, v6;
	v36 =	vld [tilespmem:s29+$0x70E0]  }
0x177: {  	v40 =	vld [tilespmem:s29+$0x70F0];
	_ =	sdelay $0x1  }
0x178: {  	[tilespmem:v33+s16+$0x0] =	vst.idx.msk $0xffff, v32  }
0x179: {  	[tilespmem:v35+s16+$0x0] =	vst.idx.msk $0xffff, v34  }
0x17a: {  	[tilespmem:v37+s16+$0x0] =	vst.idx.msk $0xffff, v36  }
0x17b: {  	[tilespmem:v38+s16+$0x0] =	vst.idx.msk $0xffff, v40  }
0x17c: {  	v33 =	vor.u32 s0, v8;
	v32 =	vld [tilespmem:s29+$0x7100]  }
0x17d: {  	v35 =	vor.u32 s0, v9;
	v34 =	vld [tilespmem:s29+$0x7110]  }
0x17e: {  	v37 =	vor.u32 s0, v10;
	v36 =	vld [tilespmem:s29+$0x7120]  }
0x17f: {  	v40 =	vor.u32 s0, v11;
	v38 =	vld [tilespmem:s29+$0x7130];
	_ =	sdelay $0x1  }
0x180: {  	[tilespmem:v33+s16+$0x0] =	vst.idx.msk $0xffff, v32  }
0x181: {  	[tilespmem:v35+s16+$0x0] =	vst.idx.msk $0xffff, v34  }
0x182: {  	[tilespmem:v37+s16+$0x0] =	vst.idx.msk $0xffff, v36  }
0x183: {  	[tilespmem:v40+s16+$0x0] =	vst.idx.msk $0xffff, v38  }
0x184: {  	v33 =	vor.u32 s0, v12;
	v32 =	vld [tilespmem:s29+$0x7140]  }
0x185: {  	v35 =	vor.u32 s0, v13;
	v34 =	vld [tilespmem:s29+$0x7150]  }
0x186: {  	v36 =	vld [tilespmem:s29+$0x7160]  }
0x187: {  	v37 =	vld [tilespmem:s29+$0x7170];
	_ =	sdelay $0x1  }
0x188: {  	[tilespmem:v33+s16+$0x0] =	vst.idx.msk $0xffff, v32  }
0x189: {  	[tilespmem:v35+s16+$0x0] =	vst.idx.msk $0xffff, v34  }
0x18a: {  	[tilespmem:v39+s16+$0x0] =	vst.idx.msk $0xffff, v36  }
0x18b: {  	[tilespmem:v41+s16+$0x0] =	vst.idx.msk $0xffff, v37  }
0x18c: {  	v32 =	vld [tilespmem:s29+$0x7180]  }
0x18d: {  	v33 =	vld [tilespmem:s29+$0x7190]  }
0x18e: {  	v34 =	vld [tilespmem:s29+$0x71A0]  }
0x18f: {  	v35 =	vld [tilespmem:s29+$0x71B0];
	_ =	sdelay $0x1  }
0x190: {  	[tilespmem:v42+s16+$0x0] =	vst.idx.msk $0xffff, v32  }
0x191: {  	[tilespmem:v43+s16+$0x0] =	vst.idx.msk $0xffff, v33  }
0x192: {  	[tilespmem:v45+s16+$0x0] =	vst.idx.msk $0xffff, v34  }
0x193: {  	[tilespmem:v46+s16+$0x0] =	vst.idx.msk $0xffff, v35  }
0x194: {  	v33 =	vor.u32 s0, v20;
	v32 =	vld [tilespmem:s29+$0x71C0]  }
0x195: {  	v35 =	vor.u32 s0, v21;
	v34 =	vld [tilespmem:s29+$0x71D0]  }
0x196: {  	v37 =	vor.u32 s0, v22;
	v36 =	vld [tilespmem:s29+$0x71E0]  }
0x197: {  	v39 =	vor.u32 s0, v23;
	v38 =	vld [tilespmem:s29+$0x71F0];
	_ =	sdelay $0x1  }
0x198: {  	[tilespmem:v33+s16+$0x0] =	vst.idx.msk $0xffff, v32  }
0x199: {  	[tilespmem:v35+s16+$0x0] =	vst.idx.msk $0xffff, v34  }
0x19a: {  	[tilespmem:v37+s16+$0x0] =	vst.idx.msk $0xffff, v36  }
0x19b: {  	[tilespmem:v39+s16+$0x0] =	vst.idx.msk $0xffff, v38  }
0x19c: {  	v33 =	vor.u32 s0, v24;
	v32 =	vld [tilespmem:s29+$0x7200]  }
0x19d: {  	v35 =	vor.u32 s0, v25;
	v34 =	vld [tilespmem:s29+$0x7210]  }
0x19e: {  	v37 =	vor.u32 s0, v26;
	v36 =	vld [tilespmem:s29+$0x7220]  }
0x19f: {  	v39 =	vor.u32 s0, v27;
	v38 =	vld [tilespmem:s29+$0x7230];
	_ =	sdelay $0x1  }
0x1a0: {  	[tilespmem:v33+s16+$0x0] =	vst.idx.msk $0xffff, v32  }
0x1a1: {  	[tilespmem:v35+s16+$0x0] =	vst.idx.msk $0xffff, v34  }
0x1a2: {  	[tilespmem:v37+s16+$0x0] =	vst.idx.msk $0xffff, v36  }
0x1a3: {  	[tilespmem:v39+s16+$0x0] =	vst.idx.msk $0xffff, v38  }
0x1a4: {  	v35 =	vor.u32 s0, v28;
	v34 =	vld [tilespmem:s29+$0x7240]  }
0x1a5: {  	v37 =	vor.u32 s0, v29;
	v36 =	vld [tilespmem:s29+$0x7250]  }
0x1a6: {  	v39 =	vor.u32 s0, v30;
	v38 =	vld [tilespmem:s29+$0x7260]  }
.Ltmp13:
0x1a7: {  	v33 =	vor.u32 s0, v31;
	v32 =	vld [tilespmem:s29+$0x7270];
	s29 =	smov.u32 s1;
	(pc) =	sbr.rel @p0 .LBB2_17-.Ltmp13, $4  }
0x1a8: {  	_ = 	snop  }
0x1a9: {  	[tilespmem:v35+s16+$0x0] =	vst.idx.msk $0xffff, v34  }
0x1aa: {  	[tilespmem:v37+s16+$0x0] =	vst.idx.msk $0xffff, v36  }
0x1ab: {  	s30 =	sadd.s32 $0x1, s30;
	s31 =	smov.u32 s3;
	[tilespmem:v39+s16+$0x0] =	vst.idx.msk $0xffff, v38  }
0x1ac: {  	_ =	sdelay $0x3  }
0x1ad: {  	s0 =	sshll.u32 s30, $0x9;
	[tilespmem:v33+s16+$0x0] =	vst.idx.msk $0xffff, v32  }
0x1ae: {  	v32 =	vld [tilespmem:s29+$0x7080];
	v57 =	vor.u32 s0, v0  }
0x1af: {  	v34 =	vld [tilespmem:s29+$0x7090];
	v35 =	vor.u32 s0, v1  }
0x1b0: {  	v36 =	vor.u32 s0, v2;
	v37 =	vld [tilespmem:s29+$0x70A0]  }
0x1b1: {  	v38 =	vor.u32 s0, v3;
	v39 =	vld [tilespmem:s29+$0x70B0];
	_ =	sdelay $0x1  }
0x1b2: {  	[tilespmem:v57+s16+$0x0] =	vst.idx.msk $0xffff, v32  }
0x1b3: {  	[tilespmem:v35+s16+$0x0] =	vst.idx.msk $0xffff, v34  }
0x1b4: {  	[tilespmem:v36+s16+$0x0] =	vst.idx.msk $0xffff, v37  }
0x1b5: {  	[tilespmem:v38+s16+$0x0] =	vst.idx.msk $0xffff, v39  }
0x1b6: {  	v58 =	vor.u32 s0, v4;
	v32 =	vld [tilespmem:s29+$0x70C0]  }
0x1b7: {  	v59 =	vor.u32 s0, v5;
	v34 =	vld [tilespmem:s29+$0x70D0]  }
0x1b8: {  	v60 =	vor.u32 s0, v6;
	v36 =	vld [tilespmem:s29+$0x70E0]  }
0x1b9: {  	v61 =	vor.u32 s0, v7;
	v39 =	vld [tilespmem:s29+$0x70F0];
	_ =	sdelay $0x1  }
0x1ba: {  	[tilespmem:v58+s16+$0x0] =	vst.idx.msk $0xffff, v32  }
0x1bb: {  	[tilespmem:v59+s16+$0x0] =	vst.idx.msk $0xffff, v34  }
0x1bc: {  	[tilespmem:v60+s16+$0x0] =	vst.idx.msk $0xffff, v36  }
0x1bd: {  	[tilespmem:v61+s16+$0x0] =	vst.idx.msk $0xffff, v39  }
0x1be: {  	v62 =	vor.u32 s0, v8;
	v32 =	vld [tilespmem:s29+$0x7100]  }
0x1bf: {  	v63 =	vor.u32 s0, v9;
	v34 =	vld [tilespmem:s29+$0x7110]  }
0x1c0: {  	v42 =	vor.u32 s0, v10;
	v36 =	vld [tilespmem:s29+$0x7120]  }
0x1c1: {  	v43 =	vor.u32 s0, v11;
	v38 =	vld [tilespmem:s29+$0x7130];
	_ =	sdelay $0x1  }
0x1c2: {  	[tilespmem:v62+s16+$0x0] =	vst.idx.msk $0xffff, v32  }
0x1c3: {  	[tilespmem:v63+s16+$0x0] =	vst.idx.msk $0xffff, v34  }
0x1c4: {  	[tilespmem:v42+s16+$0x0] =	vst.idx.msk $0xffff, v36  }
0x1c5: {  	[tilespmem:v43+s16+$0x0] =	vst.idx.msk $0xffff, v38  }
0x1c6: {  	v44 =	vor.u32 s0, v12;
	v32 =	vld [tilespmem:s29+$0x7140]  }
0x1c7: {  	v45 =	vor.u32 s0, v13;
	v34 =	vld [tilespmem:s29+$0x7150]  }
0x1c8: {  	v46 =	vor.u32 s0, v14;
	v37 =	vld [tilespmem:s29+$0x7160]  }
0x1c9: {  	v47 =	vor.u32 s0, v15;
	v39 =	vld [tilespmem:s29+$0x7170];
	_ =	sdelay $0x1  }
0x1ca: {  	[tilespmem:v44+s16+$0x0] =	vst.idx.msk $0xffff, v32  }
0x1cb: {  	[tilespmem:v45+s16+$0x0] =	vst.idx.msk $0xffff, v34  }
0x1cc: {  	[tilespmem:v46+s16+$0x0] =	vst.idx.msk $0xffff, v37  }
0x1cd: {  	[tilespmem:v47+s16+$0x0] =	vst.idx.msk $0xffff, v39  }
0x1ce: {  	v48 =	vor.u32 s0, v16;
	v33 =	vld [tilespmem:s29+$0x7180]  }
0x1cf: {  	v49 =	vor.u32 s0, v17;
	v35 =	vld [tilespmem:s29+$0x7190]  }
0x1d0: {  	v50 =	vor.u32 s0, v18;
	v37 =	vld [tilespmem:s29+$0x71A0]  }
0x1d1: {  	v51 =	vor.u32 s0, v19;
	v39 =	vld [tilespmem:s29+$0x71B0];
	_ =	sdelay $0x1  }
0x1d2: {  	[tilespmem:v48+s16+$0x0] =	vst.idx.msk $0xffff, v33  }
0x1d3: {  	[tilespmem:v49+s16+$0x0] =	vst.idx.msk $0xffff, v35  }
0x1d4: {  	[tilespmem:v50+s16+$0x0] =	vst.idx.msk $0xffff, v37  }
0x1d5: {  	[tilespmem:v51+s16+$0x0] =	vst.idx.msk $0xffff, v39  }
0x1d6: {  	v52 =	vor.u32 s0, v20;
	v32 =	vld [tilespmem:s29+$0x71C0]  }
0x1d7: {  	v53 =	vor.u32 s0, v21;
	v34 =	vld [tilespmem:s29+$0x71D0]  }
0x1d8: {  	v54 =	vor.u32 s0, v22;
	v36 =	vld [tilespmem:s29+$0x71E0]  }
0x1d9: {  	v55 =	vor.u32 s0, v23;
	v38 =	vld [tilespmem:s29+$0x71F0];
	_ =	sdelay $0x1  }
0x1da: {  	[tilespmem:v52+s16+$0x0] =	vst.idx.msk $0xffff, v32  }
0x1db: {  	[tilespmem:v53+s16+$0x0] =	vst.idx.msk $0xffff, v34  }
0x1dc: {  	[tilespmem:v54+s16+$0x0] =	vst.idx.msk $0xffff, v36  }
0x1dd: {  	[tilespmem:v55+s16+$0x0] =	vst.idx.msk $0xffff, v38  }
0x1de: {  	v56 =	vor.u32 s0, v24;
	v32 =	vld [tilespmem:s29+$0x7200]  }
0x1df: {  	v57 =	vor.u32 s0, v25;
	v34 =	vld [tilespmem:s29+$0x7210]  }
0x1e0: {  	v58 =	vor.u32 s0, v26;
	v36 =	vld [tilespmem:s29+$0x7220]  }
0x1e1: {  	v59 =	vor.u32 s0, v27;
	v38 =	vld [tilespmem:s29+$0x7230];
	_ =	sdelay $0x1  }
0x1e2: {  	[tilespmem:v56+s16+$0x0] =	vst.idx.msk $0xffff, v32  }
0x1e3: {  	[tilespmem:v57+s16+$0x0] =	vst.idx.msk $0xffff, v34  }
0x1e4: {  	[tilespmem:v58+s16+$0x0] =	vst.idx.msk $0xffff, v36  }
0x1e5: {  	[tilespmem:v59+s16+$0x0] =	vst.idx.msk $0xffff, v38  }
0x1e6: {  	v60 =	vor.u32 s0, v28;
	v32 =	vld [tilespmem:s29+$0x7240]  }
0x1e7: {  	s1 =	sshll.u32 s28, $0x3;
	v61 =	vor.u32 s0, v29;
	v34 =	vld [tilespmem:s29+$0x7250]  }
0x1e8: {  	s3 =	sadd.s32 s4, s1;
	v62 =	vor.u32 s0, v30;
	v36 =	vld [tilespmem:s29+$0x7260]  }
0x1e9: {  	s30 =	smul.u32 $0x1900000, s26;
	s3 =	sshll.u32 s3, $0x3;
	v63 =	vor.u32 s0, v31;
	v38 =	vld [tilespmem:s29+$0x7270]  }
0x1ea: {  	s3 =	sand.u32 $0x1FC00, s3  }
0x1eb: {  	s1 =	sand.u32 $0x70, s1;
	s0 =	sor.u32 s30, s3;
	[tilespmem:v60+s16+$0x0] =	vst.idx.msk $0xffff, v32  }
0x1ec: {  	s0 =	sor.u32 s1, s0;
	[tilespmem:v61+s16+$0x0] =	vst.idx.msk $0xffff, v34  }
0x1ed: {  	s0 =	sshrl.u32 s0, $0x3;
	[tilespmem:v62+s16+$0x0] =	vst.idx.msk $0xffff, v36  }
0x1ee: {  	s31 =	simm.s32 $0x13880;
	s1 =	simm.s32 $0x200;
	s0 =	sadd.s32 s2, s0;
	[tilespmem:v63+s16+$0x0] =	vst.idx.msk $0xffff, v38  }
0x1ef: {  	[hbm4b:s0+s9] =	stream.strided.scatter [tilespmem:s31], [sflag:$0x4], $0x80, s17, s9, $0x38;
	[tilespmem:$0x19C80] =	vst v63  }
.LBB2_19:
0x1f0: {  	p0 =	sne.s32 s1, $0x18E00  }
.Ltmp14:
0x1f1: {  	_ = 	snop;
	(pc) =	sbr.rel @p0 .LBB2_19-.Ltmp14, $4  }
0x1f2: {  	_ = 	snop  }
0x1f3: {  	s3 =	sshra.s32 s1, $0x2;
	s1 =	sadd.s32 $0x200, s1  }
0x1f4: {  	s0 =	sadd.s32 $0x4000, s0;
	s3 =	sadd.s32 $0x13880, s3  }
0x1f5: {  	[hbm4b:s0+s9] =	stream.strided.scatter [tilespmem:s3], [sflag:$0x4], $0x80, s17, s9, $0x38;
	[tilespmem:$0x19C80] =	vst v63  }
.Ltmp15:
0x1f6: {  	_ = 	snop;
	(pc) =	sbr.rel .LBB2_20-.Ltmp15, $1  }
0x1f7: {  	_ =	sdelay $0x3  }
.LBB2_22:
0x1f8: {  	_ =	sfence.sel $0x180000  }
0x1f9: {  	[bflag:$0x0] =	sbarrier.arrive $0xFFFF  }
0x1fa: {  	_ =	strace $0x90000047  }
0x1fb: {  	s0 =	stileid.u32;
	[bflag:$0x2] =	sbarrier.arrive $0xFFFF  }
0x1fc: {  	p0 =	sne.s32 s0, $0x0;
	s0 =	rddreg [dreg:$0x2]  }
0x1fd: {  	s0 =	sadd.s32 @!p0 $0x100000, s0  }
0x1fe: {  	[sflag:s0] =	ssyncadd.tile.s32 @!p0 $0x1;
	_ =	shalt  }
.Lfunc_end2:
_tile_overlayer_lowered:
.L_overlay_start_2:
0x1ff: {  	(tag) =	ssettag $0x2  }
0x200: {  	s0 =	rddreg [dreg:$0x0];
	s2 =	stileid.u32  }
0x201: {  	s1 =	rddreg [dreg:$0x1];
	p0 =	sne.s32 s2, $0x0  }
0x202: {  	s3 =	rddreg [dreg:$0x2];
	[bflag:$0x3] =	sbarrier.arrive $0xFFFF;
	s2 =	simm.s32 @!p0 $0x1C05  }
0x203: {  	[timem:s3], [sflag:s2] =	dma.local @!p0 [hbm:s0], s1  }
0x204: {  	s0 =	simm.s32 @!p0 $0x5  }
0x205: {  	_ =	swait.ge @!p0 [sflag:s0], s1  }
0x206: {  	s1 =	ssub.s32 @!p0 $0x0, s1;
	[sflag:s0] =	ssyncset.done @!p0 $0x0  }
0x207: {  	[sflag:s0] =	ssyncadd.s32 @!p0 s1  }
0x208: {  	[bflag:$0x3] =	sbarrier.arrive $0xFFFF  }
0x209: {  	_ =	shalt  }

</sc_bundles>
